<compile_context>
chip_gen: v7x
topology: tpu7x:2x2x1
jax: 0.10.2.dev20260603
libtpu: 0.0.44.dev20260713+nightly
codegen_flags: <defaults>
</compile_context>

<pallas_src>
import functools

import jax
import jax.numpy as jnp
from jax import lax
from jax.experimental import pallas as pl
from jax.experimental.pallas import tpu as pltpu
from jax.experimental.pallas import tpu_sc as plsc

NUM_FIELDS = 26
VOCAB = 100000
EMBED_DIM = 16
BATCH = 16384
INPUT_DIM = NUM_FIELDS * EMBED_DIM

NC, NS = 2, 16
NW = NC * NS
TOTAL = BATCH * NUM_FIELDS
PER_W = TOTAL // NW
CHUNK = 128
GROUP = 13
NCHUNK = PER_W // CHUNK
NGROUP = NCHUNK // GROUP

@functools.cache
def _make_sc_gather():
    mesh = plsc.VectorSubcoreMesh(
        core_axis_name="c", subcore_axis_name="s", num_cores=NC, num_subcores=NS
    )

    @functools.partial(
        pl.kernel,
        out_type=jax.ShapeDtypeStruct((TOTAL, EMBED_DIM), jnp.float32),
        mesh=mesh,
        scratch_types=[
            pltpu.VMEM((NCHUNK, CHUNK), jnp.int32),
            pltpu.VMEM((GROUP * CHUNK, EMBED_DIM), jnp.float32),
            pltpu.SemaphoreType.DMA,
        ],
        compiler_params=pltpu.CompilerParams(use_tc_tiling_on_sc=False),
    )
    def _sc_gather(table_hbm, idx_hbm, out_hbm, idx_v, rows_v, sem):
        wid = lax.axis_index("s") * NC + lax.axis_index("c")
        pltpu.sync_copy(idx_hbm.at[wid], idx_v)

        def group_body(g, _):
            copies = [
                pltpu.async_copy(
                    table_hbm.at[idx_v.at[g * GROUP + j]],
                    rows_v.at[pl.ds(j * CHUNK, CHUNK)],
                    sem,
                )
                for j in range(GROUP)
            ]
            for c in copies:
                c.wait()
            pltpu.sync_copy(
                rows_v,
                out_hbm.at[pl.ds(wid * PER_W + g * (GROUP * CHUNK), GROUP * CHUNK)],
            )
            return 0

        lax.fori_loop(0, NGROUP, group_body, 0)

    return _sc_gather


BB = 2048
NB = BATCH // BB
NPASS = 4
EPS = 1e-5
SLOPE = 0.01


def _mlp_body(x_ref, w1, b1, g1, be1, w2, b2, g2, be2, w3, b3, g3, be3, w4, b4,
              out_ref, h12, h3, s1, q1, s2, q2, s3, q3):
    p = pl.program_id(0)
    i = pl.program_id(1)
    rows = pl.ds(i * BB, BB)

    def bn_affine(s, q, g, be):
        m = s[...] / BATCH
        v = q[...] / BATCH - m * m
        a = g[...] * lax.rsqrt(v + EPS)
        c = be[...] - m * a
        return a, c

    @pl.when(p == 0)
    def _():
        h = jnp.dot(x_ref[...], w1[...], preferred_element_type=jnp.float32)
        h = h + b1[...]
        h12[rows, :] = h

        @pl.when(i == 0)
        def _():
            s1[...] = jnp.zeros_like(s1)
            q1[...] = jnp.zeros_like(q1)

        s1[...] += jnp.sum(h, axis=0, keepdims=True)
        q1[...] += jnp.sum(h * h, axis=0, keepdims=True)

    @pl.when(p == 1)
    def _():
        a, c = bn_affine(s1, q1, g1, be1)
        z = h12[rows, :] * a + c
        z = jnp.where(z >= 0, z, SLOPE * z)
        h = jnp.dot(z, w2[...], preferred_element_type=jnp.float32) + b2[...]
        h12[rows, :] = h

        @pl.when(i == 0)
        def _():
            s2[...] = jnp.zeros_like(s2)
            q2[...] = jnp.zeros_like(q2)

        s2[...] += jnp.sum(h, axis=0, keepdims=True)
        q2[...] += jnp.sum(h * h, axis=0, keepdims=True)

    @pl.when(p == 2)
    def _():
        a, c = bn_affine(s2, q2, g2, be2)
        z = h12[rows, :] * a + c
        z = jnp.where(z >= 0, z, SLOPE * z)
        h = jnp.dot(z, w3[...], preferred_element_type=jnp.float32) + b3[...]
        h3[rows, :] = h

        @pl.when(i == 0)
        def _():
            s3[...] = jnp.zeros_like(s3)
            q3[...] = jnp.zeros_like(q3)

        s3[...] += jnp.sum(h, axis=0, keepdims=True)
        q3[...] += jnp.sum(h * h, axis=0, keepdims=True)

    @pl.when(p == 3)
    def _():
        a, c = bn_affine(s3, q3, g3, be3)
        z = h3[rows, :] * a + c
        z = jnp.where(z >= 0, z, SLOPE * z)
        logits = jnp.dot(z, w4[...], preferred_element_type=jnp.float32)
        out_ref[...] = logits[:, 0] + b4[0]


def _full(shape):
    return pl.BlockSpec(shape, lambda p, i: (0,) * len(shape))


def _mlp(x, w1, b1, g1, be1, w2, b2, g2, be2, w3, b3, g3, be3, w4, b4):
    return pl.pallas_call(
        _mlp_body,
        grid=(NPASS, NB),
        in_specs=[
            pl.BlockSpec((BB, INPUT_DIM),
                         lambda p, i: (jnp.where(p == 0, i, 0), 0)),
            _full((INPUT_DIM, 256)), _full((1, 256)), _full((1, 256)), _full((1, 256)),
            _full((256, 256)), _full((1, 256)), _full((1, 256)), _full((1, 256)),
            _full((256, 128)), _full((1, 128)), _full((1, 128)), _full((1, 128)),
            _full((128, 1)), _full((1,)),
        ],
        out_specs=pl.BlockSpec((BB,), lambda p, i: (i,)),
        out_shape=jax.ShapeDtypeStruct((BATCH,), jnp.float32),
        scratch_shapes=[
            pltpu.VMEM((BATCH, 256), jnp.float32),
            pltpu.VMEM((BATCH, 128), jnp.float32),
            pltpu.VMEM((1, 256), jnp.float32),
            pltpu.VMEM((1, 256), jnp.float32),
            pltpu.VMEM((1, 256), jnp.float32),
            pltpu.VMEM((1, 256), jnp.float32),
            pltpu.VMEM((1, 128), jnp.float32),
            pltpu.VMEM((1, 128), jnp.float32),
        ],
        compiler_params=pltpu.CompilerParams(
            vmem_limit_bytes=100 * 1024 * 1024,
        ),
    )(x, w1, b1, g1, be1, w2, b2, g2, be2, w3, b3, g3, be3, w4, b4)


def kernel(features, tables, W1, b1, g1, be1, W2, b2, g2, be2, W3, b3, g3, be3, W4, b4):
    flat_tables = tables.reshape(NUM_FIELDS * VOCAB, EMBED_DIM)
    idx = (features + jnp.arange(NUM_FIELDS, dtype=jnp.int32) * VOCAB)
    idx = idx.reshape(NW, NCHUNK, CHUNK)
    emb = _make_sc_gather()(flat_tables, idx)
    x = emb.reshape(BATCH, INPUT_DIM)
    r = lambda a: a.reshape(1, -1)
    return _mlp(x, W1, r(b1), r(g1), r(be1), W2, r(b2), r(g2), r(be2),
                W3, r(b3), r(g3), r(be3), W4, b4)

# --- scband reference (transcript-rebuilt; emitter-appended) ---
"""Pipeline reference for scband-pretrain-esdfm-rf-22797686407439 (READ-ONLY COPY).

The authoritative reference and input builder live on the scoring server;
editing this copy changes nothing except your own understanding.
"""

import jax, jax.numpy as jnp
import numpy as np

NUM_FIELDS = 26
VOCAB = 100000
EMBED_DIM = 16
BATCH = 16384
INPUT_DIM = NUM_FIELDS * EMBED_DIM


def setup_inputs(seed: int = 0) -> dict:
    key = jax.random.key(seed)
    k = lambda i: jax.random.fold_in(key, i)
    features = jax.random.randint(k(0), (BATCH, NUM_FIELDS), 0, VOCAB, dtype=jnp.int32)
    tables = jax.random.normal(k(1), (NUM_FIELDS, VOCAB, EMBED_DIM), dtype=jnp.float32) * 0.01

    def lin(i, fan_in, fan_out):
        lim = 1.0 / np.sqrt(fan_in)
        W = jax.random.uniform(k(10 + 2 * i), (fan_in, fan_out), minval=-lim, maxval=lim, dtype=jnp.float32)
        b = jax.random.uniform(k(11 + 2 * i), (fan_out,), minval=-lim, maxval=lim, dtype=jnp.float32)
        return W, b

    W1, b1 = lin(0, INPUT_DIM, 256)
    W2, b2 = lin(1, 256, 256)
    W3, b3 = lin(2, 256, 128)
    W4, b4 = lin(3, 128, 1)
    g1 = jnp.ones((256,), jnp.float32); be1 = jnp.zeros((256,), jnp.float32)
    g2 = jnp.ones((256,), jnp.float32); be2 = jnp.zeros((256,), jnp.float32)
    g3 = jnp.ones((128,), jnp.float32); be3 = jnp.zeros((128,), jnp.float32)
    return dict(features=features, tables=tables,
                W1=W1, b1=b1, g1=g1, be1=be1,
                W2=W2, b2=b2, g2=g2, be2=be2,
                W3=W3, b3=b3, g3=g3, be3=be3,
                W4=W4, b4=b4)


def _bn(x, g, b):
    # BatchNorm1d in training mode: batch statistics, eps=1e-5 (biased var like torch)
    m = jnp.mean(x, axis=0)
    v = jnp.var(x, axis=0)
    return g * (x - m) / jnp.sqrt(v + 1e-5) + b


def reference(features, tables, W1, b1, g1, be1, W2, b2, g2, be2, W3, b3, g3, be3, W4, b4):
    # cvr_forward path: per-field embedding lookup, concat, 3x (Linear+BN+LeakyReLU), Linear
    emb = tables[jnp.arange(NUM_FIELDS), features]  # gather -> [B, F, D]
    x = emb.reshape(features.shape[0], INPUT_DIM)
    x = jax.nn.leaky_relu(_bn(x @ W1 + b1, g1, be1))
    x = jax.nn.leaky_relu(_bn(x @ W2 + b2, g2, be2))
    x = jax.nn.leaky_relu(_bn(x @ W3 + b3, g3, be3))
    logits = x @ W4 + b4
    return logits.squeeze(-1)

if __name__ == "__main__":
    import jax
    _d = setup_inputs()
    print(jax.jit(kernel)(*tuple(_d.values())))

</pallas_src>

<mosaic_0001>
#map = affine_map<(d0, d1) -> (0, 0)>
#map1 = affine_map<(d0, d1) -> (0, 0, 0)>
module attributes {stable_mosaic.version = 14 : i64} {
  func.func @_sc_gather(%arg0: i32, %arg1: i32, %arg2: memref<2600000x16xf32, #tpu.memory_space<hbm>>, %arg3: memref<32x104x128xi32, #tpu.memory_space<hbm>>, %arg4: memref<425984x16xf32, #tpu.memory_space<hbm>>, %arg5: memref<104x128xi32, #tpu.memory_space<vmem>>, %arg6: memref<1664x16xf32, #tpu.memory_space<vmem>>, %arg7: memref<!tpu.dma_semaphore, #tpu.memory_space<semaphore_mem>>) attributes {dimension_semantics = [#tpu.dimension_semantics<core_parallel>, #tpu.dimension_semantics<subcore_parallel>], iteration_bounds = array<i64: 2, 16>, scalar_prefetch = 0 : i64, scratch_operands = 3 : i64, tpu.core_type = #tpu.core_type<sc_vector_subcore>, window_params = [{transform_indices = #map}, {transform_indices = #map1}, {transform_indices = #map}]} {
    %mul3A = arith.constant 2 : i32
    %mul3A_0 = arith.muli %arg1, %mul3A : i32
    %add3A = arith.addi %mul3A_0, %arg0 : i32
    "tpu.region"() ({
      %run_scoped3A = tpu.sem_alloc : memref<!tpu.dma_semaphore, #tpu.memory_space<semaphore_mem>>
      %dma_start3A = arith.constant 0 : i32
      %dma_start3A_7 = arith.constant 0 : i32
      %dma_start3A_8 = tpu.memref_slice %arg3[%add3A, %dma_start3A, %dma_start3A_7] : memref<32x104x128xi32, #tpu.memory_space<hbm>> -> memref<1x104x128xi32, #tpu.memory_space<hbm>>
      %dma_start3A_9 = tpu.memref_squeeze %dma_start3A_8 : memref<1x104x128xi32, #tpu.memory_space<hbm>> -> memref<104x128xi32, #tpu.memory_space<hbm>>
      %dma_start3A_10 = arith.constant 0 : i32
      %dma_start3A_11 = arith.constant 0 : i32
      %dma_start3A_12 = tpu.memref_slice %arg3[%add3A, %dma_start3A_10, %dma_start3A_11] : memref<32x104x128xi32, #tpu.memory_space<hbm>> -> memref<1x104x128xi32, #tpu.memory_space<hbm>>
      %dma_start3A_13 = tpu.memref_squeeze %dma_start3A_12 : memref<1x104x128xi32, #tpu.memory_space<hbm>> -> memref<104x128xi32, #tpu.memory_space<hbm>>
      tpu.enqueue_dma source(%dma_start3A_13 : memref<104x128xi32, #tpu.memory_space<hbm>>) target(%arg5 : memref<104x128xi32, #tpu.memory_space<vmem>>) target_semaphore(%run_scoped3A : memref<!tpu.dma_semaphore, #tpu.memory_space<semaphore_mem>>)
      %dma_wait3A = arith.constant 0 : i32
      %dma_wait3A_14 = arith.constant 0 : i32
      %dma_wait3A_15 = tpu.memref_slice %arg3[%add3A, %dma_wait3A, %dma_wait3A_14] : memref<32x104x128xi32, #tpu.memory_space<hbm>> -> memref<1x104x128xi32, #tpu.memory_space<hbm>>
      %dma_wait3A_16 = tpu.memref_squeeze %dma_wait3A_15 : memref<1x104x128xi32, #tpu.memory_space<hbm>> -> memref<104x128xi32, #tpu.memory_space<hbm>>
      %dma_wait3A_17 = arith.constant 0 : i32
      %dma_wait3A_18 = arith.constant 0 : i32
      %dma_wait3A_19 = tpu.memref_slice %arg3[%add3A, %dma_wait3A_17, %dma_wait3A_18] : memref<32x104x128xi32, #tpu.memory_space<hbm>> -> memref<1x104x128xi32, #tpu.memory_space<hbm>>
      %dma_wait3A_20 = tpu.memref_squeeze %dma_wait3A_19 : memref<1x104x128xi32, #tpu.memory_space<hbm>> -> memref<104x128xi32, #tpu.memory_space<hbm>>
      tpu.wait_dma2 semaphore(%run_scoped3A : memref<!tpu.dma_semaphore, #tpu.memory_space<semaphore_mem>>) src(%dma_wait3A_20 : memref<104x128xi32, #tpu.memory_space<hbm>>) dst(%arg5 : memref<104x128xi32, #tpu.memory_space<vmem>>)
      tpu.yield
    }) : () -> ()
    %scan3A = arith.constant 0 : i32
    %scan3A_1 = arith.constant 0 : i32
    %scan3A_2 = arith.constant 8 : i32
    %scan3A_3 = arith.addi %scan3A_1, %scan3A_2 : i32
    %scan3A_4 = arith.constant 1 : i32
    %scan3A_5 = scf.for %scan3A_7 = %scan3A_1 to %scan3A_3 step %scan3A_4 iter_args(%scan3A_8 = %scan3A) -> (i32)  : i32 {
      %mul3A_9 = arith.constant 13 : i32
      %mul3A_10 = arith.muli %scan3A_7, %mul3A_9 : i32
      %add3A_11 = arith.constant 0 : i32
      %add3A_12 = arith.addi %mul3A_10, %add3A_11 : i32
      %dma_start3A = arith.constant 0 : i32
      %dma_start3A_13 = arith.constant 0 : i32
      %dma_start3A_14 = tpu.memref_slice %arg6[%dma_start3A, %dma_start3A_13] : memref<1664x16xf32, #tpu.memory_space<vmem>> -> memref<128x16xf32, #tpu.memory_space<vmem>>
      %dma_start3A_15 = arith.constant 0 : i32
      %dma_start3A_16 = tpu.memref_slice %arg5[%add3A_12, %dma_start3A_15] : memref<104x128xi32, #tpu.memory_space<vmem>> -> memref<1x128xi32, #tpu.memory_space<vmem>>
      %dma_start3A_17 = tpu.memref_squeeze %dma_start3A_16 : memref<1x128xi32, #tpu.memory_space<vmem>> -> memref<128xi32, #tpu.memory_space<vmem>>
      %dma_start3A_18 = arith.constant 0 : i32
      %dma_start3A_19 = arith.constant 0 : i32
      %dma_start3A_20 = tpu.memref_slice %arg2[%dma_start3A_18, %dma_start3A_19] : memref<2600000x16xf32, #tpu.memory_space<hbm>> -> memref<2600000x16xf32, #tpu.memory_space<hbm>>
      tpu.enqueue_indirect_dma source(%dma_start3A_20 : memref<2600000x16xf32, #tpu.memory_space<hbm>>) target(%dma_start3A_14 : memref<128x16xf32, #tpu.memory_space<vmem>>) offsets(%dma_start3A_17 : memref<128xi32, #tpu.memory_space<vmem>>) semaphore(%arg7 : memref<!tpu.dma_semaphore, #tpu.memory_space<semaphore_mem>>)
      %mul3A_21 = arith.constant 13 : i32
      %mul3A_22 = arith.muli %scan3A_7, %mul3A_21 : i32
      %add3A_23 = arith.constant 1 : i32
      %add3A_24 = arith.addi %mul3A_22, %add3A_23 : i32
      %dma_start3A_25 = arith.constant 128 : i32
      %dma_start3A_26 = arith.constant 0 : i32
      %dma_start3A_27 = tpu.memref_slice %arg6[%dma_start3A_25, %dma_start3A_26] : memref<1664x16xf32, #tpu.memory_space<vmem>> -> memref<128x16xf32, #tpu.memory_space<vmem>>
      %dma_start3A_28 = arith.constant 0 : i32
      %dma_start3A_29 = tpu.memref_slice %arg5[%add3A_24, %dma_start3A_28] : memref<104x128xi32, #tpu.memory_space<vmem>> -> memref<1x128xi32, #tpu.memory_space<vmem>>
      %dma_start3A_30 = tpu.memref_squeeze %dma_start3A_29 : memref<1x128xi32, #tpu.memory_space<vmem>> -> memref<128xi32, #tpu.memory_space<vmem>>
      %dma_start3A_31 = arith.constant 0 : i32
      %dma_start3A_32 = arith.constant 0 : i32
      %dma_start3A_33 = tpu.memref_slice %arg2[%dma_start3A_31, %dma_start3A_32] : memref<2600000x16xf32, #tpu.memory_space<hbm>> -> memref<2600000x16xf32, #tpu.memory_space<hbm>>
      tpu.enqueue_indirect_dma source(%dma_start3A_33 : memref<2600000x16xf32, #tpu.memory_space<hbm>>) target(%dma_start3A_27 : memref<128x16xf32, #tpu.memory_space<vmem>>) offsets(%dma_start3A_30 : memref<128xi32, #tpu.memory_space<vmem>>) semaphore(%arg7 : memref<!tpu.dma_semaphore, #tpu.memory_space<semaphore_mem>>)
      %mul3A_34 = arith.constant 13 : i32
      %mul3A_35 = arith.muli %scan3A_7, %mul3A_34 : i32
      %add3A_36 = arith.constant 2 : i32
      %add3A_37 = arith.addi %mul3A_35, %add3A_36 : i32
      %dma_start3A_38 = arith.constant 256 : i32
      %dma_start3A_39 = arith.constant 0 : i32
      %dma_start3A_40 = tpu.memref_slice %arg6[%dma_start3A_38, %dma_start3A_39] : memref<1664x16xf32, #tpu.memory_space<vmem>> -> memref<128x16xf32, #tpu.memory_space<vmem>>
      %dma_start3A_41 = arith.constant 0 : i32
      %dma_start3A_42 = tpu.memref_slice %arg5[%add3A_37, %dma_start3A_41] : memref<104x128xi32, #tpu.memory_space<vmem>> -> memref<1x128xi32, #tpu.memory_space<vmem>>
      %dma_start3A_43 = tpu.memref_squeeze %dma_start3A_42 : memref<1x128xi32, #tpu.memory_space<vmem>> -> memref<128xi32, #tpu.memory_space<vmem>>
      %dma_start3A_44 = arith.constant 0 : i32
      %dma_start3A_45 = arith.constant 0 : i32
      %dma_start3A_46 = tpu.memref_slice %arg2[%dma_start3A_44, %dma_start3A_45] : memref<2600000x16xf32, #tpu.memory_space<hbm>> -> memref<2600000x16xf32, #tpu.memory_space<hbm>>
      tpu.enqueue_indirect_dma source(%dma_start3A_46 : memref<2600000x16xf32, #tpu.memory_space<hbm>>) target(%dma_start3A_40 : memref<128x16xf32, #tpu.memory_space<vmem>>) offsets(%dma_start3A_43 : memref<128xi32, #tpu.memory_space<vmem>>) semaphore(%arg7 : memref<!tpu.dma_semaphore, #tpu.memory_space<semaphore_mem>>)
      %mul3A_47 = arith.constant 13 : i32
      %mul3A_48 = arith.muli %scan3A_7, %mul3A_47 : i32
      %add3A_49 = arith.constant 3 : i32
      %add3A_50 = arith.addi %mul3A_48, %add3A_49 : i32
      %dma_start3A_51 = arith.constant 384 : i32
      %dma_start3A_52 = arith.constant 0 : i32
      %dma_start3A_53 = tpu.memref_slice %arg6[%dma_start3A_51, %dma_start3A_52] : memref<1664x16xf32, #tpu.memory_space<vmem>> -> memref<128x16xf32, #tpu.memory_space<vmem>>
      %dma_start3A_54 = arith.constant 0 : i32
      %dma_start3A_55 = tpu.memref_slice %arg5[%add3A_50, %dma_start3A_54] : memref<104x128xi32, #tpu.memory_space<vmem>> -> memref<1x128xi32, #tpu.memory_space<vmem>>
      %dma_start3A_56 = tpu.memref_squeeze %dma_start3A_55 : memref<1x128xi32, #tpu.memory_space<vmem>> -> memref<128xi32, #tpu.memory_space<vmem>>
      %dma_start3A_57 = arith.constant 0 : i32
      %dma_start3A_58 = arith.constant 0 : i32
      %dma_start3A_59 = tpu.memref_slice %arg2[%dma_start3A_57, %dma_start3A_58] : memref<2600000x16xf32, #tpu.memory_space<hbm>> -> memref<2600000x16xf32, #tpu.memory_space<hbm>>
      tpu.enqueue_indirect_dma source(%dma_start3A_59 : memref<2600000x16xf32, #tpu.memory_space<hbm>>) target(%dma_start3A_53 : memref<128x16xf32, #tpu.memory_space<vmem>>) offsets(%dma_start3A_56 : memref<128xi32, #tpu.memory_space<vmem>>) semaphore(%arg7 : memref<!tpu.dma_semaphore, #tpu.memory_space<semaphore_mem>>)
      %mul3A_60 = arith.constant 13 : i32
      %mul3A_61 = arith.muli %scan3A_7, %mul3A_60 : i32
      %add3A_62 = arith.constant 4 : i32
      %add3A_63 = arith.addi %mul3A_61, %add3A_62 : i32
      %dma_start3A_64 = arith.constant 512 : i32
      %dma_start3A_65 = arith.constant 0 : i32
      %dma_start3A_66 = tpu.memref_slice %arg6[%dma_start3A_64, %dma_start3A_65] : memref<1664x16xf32, #tpu.memory_space<vmem>> -> memref<128x16xf32, #tpu.memory_space<vmem>>
      %dma_start3A_67 = arith.constant 0 : i32
      %dma_start3A_68 = tpu.memref_slice %arg5[%add3A_63, %dma_start3A_67] : memref<104x128xi32, #tpu.memory_space<vmem>> -> memref<1x128xi32, #tpu.memory_space<vmem>>
      %dma_start3A_69 = tpu.memref_squeeze %dma_start3A_68 : memref<1x128xi32, #tpu.memory_space<vmem>> -> memref<128xi32, #tpu.memory_space<vmem>>
      %dma_start3A_70 = arith.constant 0 : i32
      %dma_start3A_71 = arith.constant 0 : i32
      %dma_start3A_72 = tpu.memref_slice %arg2[%dma_start3A_70, %dma_start3A_71] : memref<2600000x16xf32, #tpu.memory_space<hbm>> -> memref<2600000x16xf32, #tpu.memory_space<hbm>>
      tpu.enqueue_indirect_dma source(%dma_start3A_72 : memref<2600000x16xf32, #tpu.memory_space<hbm>>) target(%dma_start3A_66 : memref<128x16xf32, #tpu.memory_space<vmem>>) offsets(%dma_start3A_69 : memref<128xi32, #tpu.memory_space<vmem>>) semaphore(%arg7 : memref<!tpu.dma_semaphore, #tpu.memory_space<semaphore_mem>>)
      %mul3A_73 = arith.constant 13 : i32
      %mul3A_74 = arith.muli %scan3A_7, %mul3A_73 : i32
      %add3A_75 = arith.constant 5 : i32
      %add3A_76 = arith.addi %mul3A_74, %add3A_75 : i32
      %dma_start3A_77 = arith.constant 640 : i32
      %dma_start3A_78 = arith.constant 0 : i32
      %dma_start3A_79 = tpu.memref_slice %arg6[%dma_start3A_77, %dma_start3A_78] : memref<1664x16xf32, #tpu.memory_space<vmem>> -> memref<128x16xf32, #tpu.memory_space<vmem>>
      %dma_start3A_80 = arith.constant 0 : i32
      %dma_start3A_81 = tpu.memref_slice %arg5[%add3A_76, %dma_start3A_80] : memref<104x128xi32, #tpu.memory_space<vmem>> -> memref<1x128xi32, #tpu.memory_space<vmem>>
      %dma_start3A_82 = tpu.memref_squeeze %dma_start3A_81 : memref<1x128xi32, #tpu.memory_space<vmem>> -> memref<128xi32, #tpu.memory_space<vmem>>
      %dma_start3A_83 = arith.constant 0 : i32
      %dma_start3A_84 = arith.constant 0 : i32
      %dma_start3A_85 = tpu.memref_slice %arg2[%dma_start3A_83, %dma_start3A_84] : memref<2600000x16xf32, #tpu.memory_space<hbm>> -> memref<2600000x16xf32, #tpu.memory_space<hbm>>
      tpu.enqueue_indirect_dma source(%dma_start3A_85 : memref<2600000x16xf32, #tpu.memory_space<hbm>>) target(%dma_start3A_79 : memref<128x16xf32, #tpu.memory_space<vmem>>) offsets(%dma_start3A_82 : memref<128xi32, #tpu.memory_space<vmem>>) semaphore(%arg7 : memref<!tpu.dma_semaphore, #tpu.memory_space<semaphore_mem>>)
      %mul3A_86 = arith.constant 13 : i32
      %mul3A_87 = arith.muli %scan3A_7, %mul3A_86 : i32
      %add3A_88 = arith.constant 6 : i32
      %add3A_89 = arith.addi %mul3A_87, %add3A_88 : i32
      %dma_start3A_90 = arith.constant 768 : i32
      %dma_start3A_91 = arith.constant 0 : i32
      %dma_start3A_92 = tpu.memref_slice %arg6[%dma_start3A_90, %dma_start3A_91] : memref<1664x16xf32, #tpu.memory_space<vmem>> -> memref<128x16xf32, #tpu.memory_space<vmem>>
      %dma_start3A_93 = arith.constant 0 : i32
      %dma_start3A_94 = tpu.memref_slice %arg5[%add3A_89, %dma_start3A_93] : memref<104x128xi32, #tpu.memory_space<vmem>> -> memref<1x128xi32, #tpu.memory_space<vmem>>
      %dma_start3A_95 = tpu.memref_squeeze %dma_start3A_94 : memref<1x128xi32, #tpu.memory_space<vmem>> -> memref<128xi32, #tpu.memory_space<vmem>>
      %dma_start3A_96 = arith.constant 0 : i32
      %dma_start3A_97 = arith.constant 0 : i32
      %dma_start3A_98 = tpu.memref_slice %arg2[%dma_start3A_96, %dma_start3A_97] : memref<2600000x16xf32, #tpu.memory_space<hbm>> -> memref<2600000x16xf32, #tpu.memory_space<hbm>>
      tpu.enqueue_indirect_dma source(%dma_start3A_98 : memref<2600000x16xf32, #tpu.memory_space<hbm>>) target(%dma_start3A_92 : memref<128x16xf32, #tpu.memory_space<vmem>>) offsets(%dma_start3A_95 : memref<128xi32, #tpu.memory_space<vmem>>) semaphore(%arg7 : memref<!tpu.dma_semaphore, #tpu.memory_space<semaphore_mem>>)
      %mul3A_99 = arith.constant 13 : i32
      %mul3A_100 = arith.muli %scan3A_7, %mul3A_99 : i32
      %add3A_101 = arith.constant 7 : i32
      %add3A_102 = arith.addi %mul3A_100, %add3A_101 : i32
      %dma_start3A_103 = arith.constant 896 : i32
      %dma_start3A_104 = arith.constant 0 : i32
      %dma_start3A_105 = tpu.memref_slice %arg6[%dma_start3A_103, %dma_start3A_104] : memref<1664x16xf32, #tpu.memory_space<vmem>> -> memref<128x16xf32, #tpu.memory_space<vmem>>
      %dma_start3A_106 = arith.constant 0 : i32
      %dma_start3A_107 = tpu.memref_slice %arg5[%add3A_102, %dma_start3A_106] : memref<104x128xi32, #tpu.memory_space<vmem>> -> memref<1x128xi32, #tpu.memory_space<vmem>>
      %dma_start3A_108 = tpu.memref_squeeze %dma_start3A_107 : memref<1x128xi32, #tpu.memory_space<vmem>> -> memref<128xi32, #tpu.memory_space<vmem>>
      %dma_start3A_109 = arith.constant 0 : i32
      %dma_start3A_110 = arith.constant 0 : i32
      %dma_start3A_111 = tpu.memref_slice %arg2[%dma_start3A_109, %dma_start3A_110] : memref<2600000x16xf32, #tpu.memory_space<hbm>> -> memref<2600000x16xf32, #tpu.memory_space<hbm>>
      tpu.enqueue_indirect_dma source(%dma_start3A_111 : memref<2600000x16xf32, #tpu.memory_space<hbm>>) target(%dma_start3A_105 : memref<128x16xf32, #tpu.memory_space<vmem>>) offsets(%dma_start3A_108 : memref<128xi32, #tpu.memory_space<vmem>>) semaphore(%arg7 : memref<!tpu.dma_semaphore, #tpu.memory_space<semaphore_mem>>)
      %mul3A_112 = arith.constant 13 : i32
      %mul3A_113 = arith.muli %scan3A_7, %mul3A_112 : i32
      %add3A_114 = arith.constant 8 : i32
      %add3A_115 = arith.addi %mul3A_113, %add3A_114 : i32
      %dma_start3A_116 = arith.constant 1024 : i32
      %dma_start3A_117 = arith.constant 0 : i32
      %dma_start3A_118 = tpu.memref_slice %arg6[%dma_start3A_116, %dma_start3A_117] : memref<1664x16xf32, #tpu.memory_space<vmem>> -> memref<128x16xf32, #tpu.memory_space<vmem>>
      %dma_start3A_119 = arith.constant 0 : i32
      %dma_start3A_120 = tpu.memref_slice %arg5[%add3A_115, %dma_start3A_119] : memref<104x128xi32, #tpu.memory_space<vmem>> -> memref<1x128xi32, #tpu.memory_space<vmem>>
      %dma_start3A_121 = tpu.memref_squeeze %dma_start3A_120 : memref<1x128xi32, #tpu.memory_space<vmem>> -> memref<128xi32, #tpu.memory_space<vmem>>
      %dma_start3A_122 = arith.constant 0 : i32
      %dma_start3A_123 = arith.constant 0 : i32
      %dma_start3A_124 = tpu.memref_slice %arg2[%dma_start3A_122, %dma_start3A_123] : memref<2600000x16xf32, #tpu.memory_space<hbm>> -> memref<2600000x16xf32, #tpu.memory_space<hbm>>
      tpu.enqueue_indirect_dma source(%dma_start3A_124 : memref<2600000x16xf32, #tpu.memory_space<hbm>>) target(%dma_start3A_118 : memref<128x16xf32, #tpu.memory_space<vmem>>) offsets(%dma_start3A_121 : memref<128xi32, #tpu.memory_space<vmem>>) semaphore(%arg7 : memref<!tpu.dma_semaphore, #tpu.memory_space<semaphore_mem>>)
      %mul3A_125 = arith.constant 13 : i32
      %mul3A_126 = arith.muli %scan3A_7, %mul3A_125 : i32
      %add3A_127 = arith.constant 9 : i32
      %add3A_128 = arith.addi %mul3A_126, %add3A_127 : i32
      %dma_start3A_129 = arith.constant 1152 : i32
      %dma_start3A_130 = arith.constant 0 : i32
      %dma_start3A_131 = tpu.memref_slice %arg6[%dma_start3A_129, %dma_start3A_130] : memref<1664x16xf32, #tpu.memory_space<vmem>> -> memref<128x16xf32, #tpu.memory_space<vmem>>
      %dma_start3A_132 = arith.constant 0 : i32
      %dma_start3A_133 = tpu.memref_slice %arg5[%add3A_128, %dma_start3A_132] : memref<104x128xi32, #tpu.memory_space<vmem>> -> memref<1x128xi32, #tpu.memory_space<vmem>>
      %dma_start3A_134 = tpu.memref_squeeze %dma_start3A_133 : memref<1x128xi32, #tpu.memory_space<vmem>> -> memref<128xi32, #tpu.memory_space<vmem>>
      %dma_start3A_135 = arith.constant 0 : i32
      %dma_start3A_136 = arith.constant 0 : i32
      %dma_start3A_137 = tpu.memref_slice %arg2[%dma_start3A_135, %dma_start3A_136] : memref<2600000x16xf32, #tpu.memory_space<hbm>> -> memref<2600000x16xf32, #tpu.memory_space<hbm>>
      tpu.enqueue_indirect_dma source(%dma_start3A_137 : memref<2600000x16xf32, #tpu.memory_space<hbm>>) target(%dma_start3A_131 : memref<128x16xf32, #tpu.memory_space<vmem>>) offsets(%dma_start3A_134 : memref<128xi32, #tpu.memory_space<vmem>>) semaphore(%arg7 : memref<!tpu.dma_semaphore, #tpu.memory_space<semaphore_mem>>)
      %mul3A_138 = arith.constant 13 : i32
      %mul3A_139 = arith.muli %scan3A_7, %mul3A_138 : i32
      %add3A_140 = arith.constant 10 : i32
      %add3A_141 = arith.addi %mul3A_139, %add3A_140 : i32
      %dma_start3A_142 = arith.constant 1280 : i32
      %dma_start3A_143 = arith.constant 0 : i32
      %dma_start3A_144 = tpu.memref_slice %arg6[%dma_start3A_142, %dma_start3A_143] : memref<1664x16xf32, #tpu.memory_space<vmem>> -> memref<128x16xf32, #tpu.memory_space<vmem>>
      %dma_start3A_145 = arith.constant 0 : i32
      %dma_start3A_146 = tpu.memref_slice %arg5[%add3A_141, %dma_start3A_145] : memref<104x128xi32, #tpu.memory_space<vmem>> -> memref<1x128xi32, #tpu.memory_space<vmem>>
      %dma_start3A_147 = tpu.memref_squeeze %dma_start3A_146 : memref<1x128xi32, #tpu.memory_space<vmem>> -> memref<128xi32, #tpu.memory_space<vmem>>
      %dma_start3A_148 = arith.constant 0 : i32
      %dma_start3A_149 = arith.constant 0 : i32
      %dma_start3A_150 = tpu.memref_slice %arg2[%dma_start3A_148, %dma_start3A_149] : memref<2600000x16xf32, #tpu.memory_space<hbm>> -> memref<2600000x16xf32, #tpu.memory_space<hbm>>
      tpu.enqueue_indirect_dma source(%dma_start3A_150 : memref<2600000x16xf32, #tpu.memory_space<hbm>>) target(%dma_start3A_144 : memref<128x16xf32, #tpu.memory_space<vmem>>) offsets(%dma_start3A_147 : memref<128xi32, #tpu.memory_space<vmem>>) semaphore(%arg7 : memref<!tpu.dma_semaphore, #tpu.memory_space<semaphore_mem>>)
      %mul3A_151 = arith.constant 13 : i32
      %mul3A_152 = arith.muli %scan3A_7, %mul3A_151 : i32
      %add3A_153 = arith.constant 11 : i32
      %add3A_154 = arith.addi %mul3A_152, %add3A_153 : i32
      %dma_start3A_155 = arith.constant 1408 : i32
      %dma_start3A_156 = arith.constant 0 : i32
      %dma_start3A_157 = tpu.memref_slice %arg6[%dma_start3A_155, %dma_start3A_156] : memref<1664x16xf32, #tpu.memory_space<vmem>> -> memref<128x16xf32, #tpu.memory_space<vmem>>
      %dma_start3A_158 = arith.constant 0 : i32
      %dma_start3A_159 = tpu.memref_slice %arg5[%add3A_154, %dma_start3A_158] : memref<104x128xi32, #tpu.memory_space<vmem>> -> memref<1x128xi32, #tpu.memory_space<vmem>>
      %dma_start3A_160 = tpu.memref_squeeze %dma_start3A_159 : memref<1x128xi32, #tpu.memory_space<vmem>> -> memref<128xi32, #tpu.memory_space<vmem>>
      %dma_start3A_161 = arith.constant 0 : i32
      %dma_start3A_162 = arith.constant 0 : i32
      %dma_start3A_163 = tpu.memref_slice %arg2[%dma_start3A_161, %dma_start3A_162] : memref<2600000x16xf32, #tpu.memory_space<hbm>> -> memref<2600000x16xf32, #tpu.memory_space<hbm>>
      tpu.enqueue_indirect_dma source(%dma_start3A_163 : memref<2600000x16xf32, #tpu.memory_space<hbm>>) target(%dma_start3A_157 : memref<128x16xf32, #tpu.memory_space<vmem>>) offsets(%dma_start3A_160 : memref<128xi32, #tpu.memory_space<vmem>>) semaphore(%arg7 : memref<!tpu.dma_semaphore, #tpu.memory_space<semaphore_mem>>)
      %mul3A_164 = arith.constant 13 : i32
      %mul3A_165 = arith.muli %scan3A_7, %mul3A_164 : i32
      %add3A_166 = arith.constant 12 : i32
      %add3A_167 = arith.addi %mul3A_165, %add3A_166 : i32
      %dma_start3A_168 = arith.constant 1536 : i32
      %dma_start3A_169 = arith.constant 0 : i32
      %dma_start3A_170 = tpu.memref_slice %arg6[%dma_start3A_168, %dma_start3A_169] : memref<1664x16xf32, #tpu.memory_space<vmem>> -> memref<128x16xf32, #tpu.memory_space<vmem>>
      %dma_start3A_171 = arith.constant 0 : i32
      %dma_start3A_172 = tpu.memref_slice %arg5[%add3A_167, %dma_start3A_171] : memref<104x128xi32, #tpu.memory_space<vmem>> -> memref<1x128xi32, #tpu.memory_space<vmem>>
      %dma_start3A_173 = tpu.memref_squeeze %dma_start3A_172 : memref<1x128xi32, #tpu.memory_space<vmem>> -> memref<128xi32, #tpu.memory_space<vmem>>
      %dma_start3A_174 = arith.constant 0 : i32
      %dma_start3A_175 = arith.constant 0 : i32
      %dma_start3A_176 = tpu.memref_slice %arg2[%dma_start3A_174, %dma_start3A_175] : memref<2600000x16xf32, #tpu.memory_space<hbm>> -> memref<2600000x16xf32, #tpu.memory_space<hbm>>
      tpu.enqueue_indirect_dma source(%dma_start3A_176 : memref<2600000x16xf32, #tpu.memory_space<hbm>>) target(%dma_start3A_170 : memref<128x16xf32, #tpu.memory_space<vmem>>) offsets(%dma_start3A_173 : memref<128xi32, #tpu.memory_space<vmem>>) semaphore(%arg7 : memref<!tpu.dma_semaphore, #tpu.memory_space<semaphore_mem>>)
      %dma_wait3A = arith.constant 0 : i32
      %dma_wait3A_177 = arith.constant 0 : i32
      %dma_wait3A_178 = tpu.memref_slice %arg6[%dma_wait3A, %dma_wait3A_177] : memref<1664x16xf32, #tpu.memory_space<vmem>> -> memref<128x16xf32, #tpu.memory_space<vmem>>
      %dma_wait3A_179 = arith.constant 0 : i32
      %dma_wait3A_180 = tpu.memref_slice %arg5[%add3A_12, %dma_wait3A_179] : memref<104x128xi32, #tpu.memory_space<vmem>> -> memref<1x128xi32, #tpu.memory_space<vmem>>
      %dma_wait3A_181 = tpu.memref_squeeze %dma_wait3A_180 : memref<1x128xi32, #tpu.memory_space<vmem>> -> memref<128xi32, #tpu.memory_space<vmem>>
      %dma_wait3A_182 = arith.constant 0 : i32
      %dma_wait3A_183 = arith.constant 0 : i32
      %dma_wait3A_184 = tpu.memref_slice %arg2[%dma_wait3A_182, %dma_wait3A_183] : memref<2600000x16xf32, #tpu.memory_space<hbm>> -> memref<2600000x16xf32, #tpu.memory_space<hbm>>
      tpu.wait_indirect_dma semaphore(%arg7 : memref<!tpu.dma_semaphore, #tpu.memory_space<semaphore_mem>>) src(%dma_wait3A_184 : memref<2600000x16xf32, #tpu.memory_space<hbm>>) dst(%dma_wait3A_178 : memref<128x16xf32, #tpu.memory_space<vmem>>)
      %dma_wait3A_185 = arith.constant 128 : i32
      %dma_wait3A_186 = arith.constant 0 : i32
      %dma_wait3A_187 = tpu.memref_slice %arg6[%dma_wait3A_185, %dma_wait3A_186] : memref<1664x16xf32, #tpu.memory_space<vmem>> -> memref<128x16xf32, #tpu.memory_space<vmem>>
      %dma_wait3A_188 = arith.constant 0 : i32
      %dma_wait3A_189 = tpu.memref_slice %arg5[%add3A_24, %dma_wait3A_188] : memref<104x128xi32, #tpu.memory_space<vmem>> -> memref<1x128xi32, #tpu.memory_space<vmem>>
      %dma_wait3A_190 = tpu.memref_squeeze %dma_wait3A_189 : memref<1x128xi32, #tpu.memory_space<vmem>> -> memref<128xi32, #tpu.memory_space<vmem>>
      %dma_wait3A_191 = arith.constant 0 : i32
      %dma_wait3A_192 = arith.constant 0 : i32
      %dma_wait3A_193 = tpu.memref_slice %arg2[%dma_wait3A_191, %dma_wait3A_192] : memref<2600000x16xf32, #tpu.memory_space<hbm>> -> memref<2600000x16xf32, #tpu.memory_space<hbm>>
      tpu.wait_indirect_dma semaphore(%arg7 : memref<!tpu.dma_semaphore, #tpu.memory_space<semaphore_mem>>) src(%dma_wait3A_193 : memref<2600000x16xf32, #tpu.memory_space<hbm>>) dst(%dma_wait3A_187 : memref<128x16xf32, #tpu.memory_space<vmem>>)
      %dma_wait3A_194 = arith.constant 256 : i32
      %dma_wait3A_195 = arith.constant 0 : i32
      %dma_wait3A_196 = tpu.memref_slice %arg6[%dma_wait3A_194, %dma_wait3A_195] : memref<1664x16xf32, #tpu.memory_space<vmem>> -> memref<128x16xf32, #tpu.memory_space<vmem>>
      %dma_wait3A_197 = arith.constant 0 : i32
      %dma_wait3A_198 = tpu.memref_slice %arg5[%add3A_37, %dma_wait3A_197] : memref<104x128xi32, #tpu.memory_space<vmem>> -> memref<1x128xi32, #tpu.memory_space<vmem>>
      %dma_wait3A_199 = tpu.memref_squeeze %dma_wait3A_198 : memref<1x128xi32, #tpu.memory_space<vmem>> -> memref<128xi32, #tpu.memory_space<vmem>>
      %dma_wait3A_200 = arith.constant 0 : i32
      %dma_wait3A_201 = arith.constant 0 : i32
      %dma_wait3A_202 = tpu.memref_slice %arg2[%dma_wait3A_200, %dma_wait3A_201] : memref<2600000x16xf32, #tpu.memory_space<hbm>> -> memref<2600000x16xf32, #tpu.memory_space<hbm>>
      tpu.wait_indirect_dma semaphore(%arg7 : memref<!tpu.dma_semaphore, #tpu.memory_space<semaphore_mem>>) src(%dma_wait3A_202 : memref<2600000x16xf32, #tpu.memory_space<hbm>>) dst(%dma_wait3A_196 : memref<128x16xf32, #tpu.memory_space<vmem>>)
      %dma_wait3A_203 = arith.constant 384 : i32
      %dma_wait3A_204 = arith.constant 0 : i32
      %dma_wait3A_205 = tpu.memref_slice %arg6[%dma_wait3A_203, %dma_wait3A_204] : memref<1664x16xf32, #tpu.memory_space<vmem>> -> memref<128x16xf32, #tpu.memory_space<vmem>>
      %dma_wait3A_206 = arith.constant 0 : i32
      %dma_wait3A_207 = tpu.memref_slice %arg5[%add3A_50, %dma_wait3A_206] : memref<104x128xi32, #tpu.memory_space<vmem>> -> memref<1x128xi32, #tpu.memory_space<vmem>>
      %dma_wait3A_208 = tpu.memref_squeeze %dma_wait3A_207 : memref<1x128xi32, #tpu.memory_space<vmem>> -> memref<128xi32, #tpu.memory_space<vmem>>
      %dma_wait3A_209 = arith.constant 0 : i32
      %dma_wait3A_210 = arith.constant 0 : i32
      %dma_wait3A_211 = tpu.memref_slice %arg2[%dma_wait3A_209, %dma_wait3A_210] : memref<2600000x16xf32, #tpu.memory_space<hbm>> -> memref<2600000x16xf32, #tpu.memory_space<hbm>>
      tpu.wait_indirect_dma semaphore(%arg7 : memref<!tpu.dma_semaphore, #tpu.memory_space<semaphore_mem>>) src(%dma_wait3A_211 : memref<2600000x16xf32, #tpu.memory_space<hbm>>) dst(%dma_wait3A_205 : memref<128x16xf32, #tpu.memory_space<vmem>>)
      %dma_wait3A_212 = arith.constant 512 : i32
      %dma_wait3A_213 = arith.constant 0 : i32
      %dma_wait3A_214 = tpu.memref_slice %arg6[%dma_wait3A_212, %dma_wait3A_213] : memref<1664x16xf32, #tpu.memory_space<vmem>> -> memref<128x16xf32, #tpu.memory_space<vmem>>
      %dma_wait3A_215 = arith.constant 0 : i32
      %dma_wait3A_216 = tpu.memref_slice %arg5[%add3A_63, %dma_wait3A_215] : memref<104x128xi32, #tpu.memory_space<vmem>> -> memref<1x128xi32, #tpu.memory_space<vmem>>
      %dma_wait3A_217 = tpu.memref_squeeze %dma_wait3A_216 : memref<1x128xi32, #tpu.memory_space<vmem>> -> memref<128xi32, #tpu.memory_space<vmem>>
      %dma_wait3A_218 = arith.constant 0 : i32
      %dma_wait3A_219 = arith.constant 0 : i32
      %dma_wait3A_220 = tpu.memref_slice %arg2[%dma_wait3A_218, %dma_wait3A_219] : memref<2600000x16xf32, #tpu.memory_space<hbm>> -> memref<2600000x16xf32, #tpu.memory_space<hbm>>
      tpu.wait_indirect_dma semaphore(%arg7 : memref<!tpu.dma_semaphore, #tpu.memory_space<semaphore_mem>>) src(%dma_wait3A_220 : memref<2600000x16xf32, #tpu.memory_space<hbm>>) dst(%dma_wait3A_214 : memref<128x16xf32, #tpu.memory_space<vmem>>)
      %dma_wait3A_221 = arith.constant 640 : i32
      %dma_wait3A_222 = arith.constant 0 : i32
      %dma_wait3A_223 = tpu.memref_slice %arg6[%dma_wait3A_221, %dma_wait3A_222] : memref<1664x16xf32, #tpu.memory_space<vmem>> -> memref<128x16xf32, #tpu.memory_space<vmem>>
      %dma_wait3A_224 = arith.constant 0 : i32
      %dma_wait3A_225 = tpu.memref_slice %arg5[%add3A_76, %dma_wait3A_224] : memref<104x128xi32, #tpu.memory_space<vmem>> -> memref<1x128xi32, #tpu.memory_space<vmem>>
      %dma_wait3A_226 = tpu.memref_squeeze %dma_wait3A_225 : memref<1x128xi32, #tpu.memory_space<vmem>> -> memref<128xi32, #tpu.memory_space<vmem>>
      %dma_wait3A_227 = arith.constant 0 : i32
      %dma_wait3A_228 = arith.constant 0 : i32
      %dma_wait3A_229 = tpu.memref_slice %arg2[%dma_wait3A_227, %dma_wait3A_228] : memref<2600000x16xf32, #tpu.memory_space<hbm>> -> memref<2600000x16xf32, #tpu.memory_space<hbm>>
      tpu.wait_indirect_dma semaphore(%arg7 : memref<!tpu.dma_semaphore, #tpu.memory_space<semaphore_mem>>) src(%dma_wait3A_229 : memref<2600000x16xf32, #tpu.memory_space<hbm>>) dst(%dma_wait3A_223 : memref<128x16xf32, #tpu.memory_space<vmem>>)
      %dma_wait3A_230 = arith.constant 768 : i32
      %dma_wait3A_231 = arith.constant 0 : i32
      %dma_wait3A_232 = tpu.memref_slice %arg6[%dma_wait3A_230, %dma_wait3A_231] : memref<1664x16xf32, #tpu.memory_space<vmem>> -> memref<128x16xf32, #tpu.memory_space<vmem>>
      %dma_wait3A_233 = arith.constant 0 : i32
      %dma_wait3A_234 = tpu.memref_slice %arg5[%add3A_89, %dma_wait3A_233] : memref<104x128xi32, #tpu.memory_space<vmem>> -> memref<1x128xi32, #tpu.memory_space<vmem>>
      %dma_wait3A_235 = tpu.memref_squeeze %dma_wait3A_234 : memref<1x128xi32, #tpu.memory_space<vmem>> -> memref<128xi32, #tpu.memory_space<vmem>>
      %dma_wait3A_236 = arith.constant 0 : i32
      %dma_wait3A_237 = arith.constant 0 : i32
      %dma_wait3A_238 = tpu.memref_slice %arg2[%dma_wait3A_236, %dma_wait3A_237] : memref<2600000x16xf32, #tpu.memory_space<hbm>> -> memref<2600000x16xf32, #tpu.memory_space<hbm>>
      tpu.wait_indirect_dma semaphore(%arg7 : memref<!tpu.dma_semaphore, #tpu.memory_space<semaphore_mem>>) src(%dma_wait3A_238 : memref<2600000x16xf32, #tpu.memory_space<hbm>>) dst(%dma_wait3A_232 : memref<128x16xf32, #tpu.memory_space<vmem>>)
      %dma_wait3A_239 = arith.constant 896 : i32
      %dma_wait3A_240 = arith.constant 0 : i32
      %dma_wait3A_241 = tpu.memref_slice %arg6[%dma_wait3A_239, %dma_wait3A_240] : memref<1664x16xf32, #tpu.memory_space<vmem>> -> memref<128x16xf32, #tpu.memory_space<vmem>>
      %dma_wait3A_242 = arith.constant 0 : i32
      %dma_wait3A_243 = tpu.memref_slice %arg5[%add3A_102, %dma_wait3A_242] : memref<104x128xi32, #tpu.memory_space<vmem>> -> memref<1x128xi32, #tpu.memory_space<vmem>>
      %dma_wait3A_244 = tpu.memref_squeeze %dma_wait3A_243 : memref<1x128xi32, #tpu.memory_space<vmem>> -> memref<128xi32, #tpu.memory_space<vmem>>
      %dma_wait3A_245 = arith.constant 0 : i32
      %dma_wait3A_246 = arith.constant 0 : i32
      %dma_wait3A_247 = tpu.memref_slice %arg2[%dma_wait3A_245, %dma_wait3A_246] : memref<2600000x16xf32, #tpu.memory_space<hbm>> -> memref<2600000x16xf32, #tpu.memory_space<hbm>>
      tpu.wait_indirect_dma semaphore(%arg7 : memref<!tpu.dma_semaphore, #tpu.memory_space<semaphore_mem>>) src(%dma_wait3A_247 : memref<2600000x16xf32, #tpu.memory_space<hbm>>) dst(%dma_wait3A_241 : memref<128x16xf32, #tpu.memory_space<vmem>>)
      %dma_wait3A_248 = arith.constant 1024 : i32
      %dma_wait3A_249 = arith.constant 0 : i32
      %dma_wait3A_250 = tpu.memref_slice %arg6[%dma_wait3A_248, %dma_wait3A_249] : memref<1664x16xf32, #tpu.memory_space<vmem>> -> memref<128x16xf32, #tpu.memory_space<vmem>>
      %dma_wait3A_251 = arith.constant 0 : i32
      %dma_wait3A_252 = tpu.memref_slice %arg5[%add3A_115, %dma_wait3A_251] : memref<104x128xi32, #tpu.memory_space<vmem>> -> memref<1x128xi32, #tpu.memory_space<vmem>>
      %dma_wait3A_253 = tpu.memref_squeeze %dma_wait3A_252 : memref<1x128xi32, #tpu.memory_space<vmem>> -> memref<128xi32, #tpu.memory_space<vmem>>
      %dma_wait3A_254 = arith.constant 0 : i32
      %dma_wait3A_255 = arith.constant 0 : i32
      %dma_wait3A_256 = tpu.memref_slice %arg2[%dma_wait3A_254, %dma_wait3A_255] : memref<2600000x16xf32, #tpu.memory_space<hbm>> -> memref<2600000x16xf32, #tpu.memory_space<hbm>>
      tpu.wait_indirect_dma semaphore(%arg7 : memref<!tpu.dma_semaphore, #tpu.memory_space<semaphore_mem>>) src(%dma_wait3A_256 : memref<2600000x16xf32, #tpu.memory_space<hbm>>) dst(%dma_wait3A_250 : memref<128x16xf32, #tpu.memory_space<vmem>>)
      %dma_wait3A_257 = arith.constant 1152 : i32
      %dma_wait3A_258 = arith.constant 0 : i32
      %dma_wait3A_259 = tpu.memref_slice %arg6[%dma_wait3A_257, %dma_wait3A_258] : memref<1664x16xf32, #tpu.memory_space<vmem>> -> memref<128x16xf32, #tpu.memory_space<vmem>>
      %dma_wait3A_260 = arith.constant 0 : i32
      %dma_wait3A_261 = tpu.memref_slice %arg5[%add3A_128, %dma_wait3A_260] : memref<104x128xi32, #tpu.memory_space<vmem>> -> memref<1x128xi32, #tpu.memory_space<vmem>>
      %dma_wait3A_262 = tpu.memref_squeeze %dma_wait3A_261 : memref<1x128xi32, #tpu.memory_space<vmem>> -> memref<128xi32, #tpu.memory_space<vmem>>
      %dma_wait3A_263 = arith.constant 0 : i32
      %dma_wait3A_264 = arith.constant 0 : i32
      %dma_wait3A_265 = tpu.memref_slice %arg2[%dma_wait3A_263, %dma_wait3A_264] : memref<2600000x16xf32, #tpu.memory_space<hbm>> -> memref<2600000x16xf32, #tpu.memory_space<hbm>>
      tpu.wait_indirect_dma semaphore(%arg7 : memref<!tpu.dma_semaphore, #tpu.memory_space<semaphore_mem>>) src(%dma_wait3A_265 : memref<2600000x16xf32, #tpu.memory_space<hbm>>) dst(%dma_wait3A_259 : memref<128x16xf32, #tpu.memory_space<vmem>>)
      %dma_wait3A_266 = arith.constant 1280 : i32
      %dma_wait3A_267 = arith.constant 0 : i32
      %dma_wait3A_268 = tpu.memref_slice %arg6[%dma_wait3A_266, %dma_wait3A_267] : memref<1664x16xf32, #tpu.memory_space<vmem>> -> memref<128x16xf32, #tpu.memory_space<vmem>>
      %dma_wait3A_269 = arith.constant 0 : i32
      %dma_wait3A_270 = tpu.memref_slice %arg5[%add3A_141, %dma_wait3A_269] : memref<104x128xi32, #tpu.memory_space<vmem>> -> memref<1x128xi32, #tpu.memory_space<vmem>>
      %dma_wait3A_271 = tpu.memref_squeeze %dma_wait3A_270 : memref<1x128xi32, #tpu.memory_space<vmem>> -> memref<128xi32, #tpu.memory_space<vmem>>
      %dma_wait3A_272 = arith.constant 0 : i32
      %dma_wait3A_273 = arith.constant 0 : i32
      %dma_wait3A_274 = tpu.memref_slice %arg2[%dma_wait3A_272, %dma_wait3A_273] : memref<2600000x16xf32, #tpu.memory_space<hbm>> -> memref<2600000x16xf32, #tpu.memory_space<hbm>>
      tpu.wait_indirect_dma semaphore(%arg7 : memref<!tpu.dma_semaphore, #tpu.memory_space<semaphore_mem>>) src(%dma_wait3A_274 : memref<2600000x16xf32, #tpu.memory_space<hbm>>) dst(%dma_wait3A_268 : memref<128x16xf32, #tpu.memory_space<vmem>>)
      %dma_wait3A_275 = arith.constant 1408 : i32
      %dma_wait3A_276 = arith.constant 0 : i32
      %dma_wait3A_277 = tpu.memref_slice %arg6[%dma_wait3A_275, %dma_wait3A_276] : memref<1664x16xf32, #tpu.memory_space<vmem>> -> memref<128x16xf32, #tpu.memory_space<vmem>>
      %dma_wait3A_278 = arith.constant 0 : i32
      %dma_wait3A_279 = tpu.memref_slice %arg5[%add3A_154, %dma_wait3A_278] : memref<104x128xi32, #tpu.memory_space<vmem>> -> memref<1x128xi32, #tpu.memory_space<vmem>>
      %dma_wait3A_280 = tpu.memref_squeeze %dma_wait3A_279 : memref<1x128xi32, #tpu.memory_space<vmem>> -> memref<128xi32, #tpu.memory_space<vmem>>
      %dma_wait3A_281 = arith.constant 0 : i32
      %dma_wait3A_282 = arith.constant 0 : i32
      %dma_wait3A_283 = tpu.memref_slice %arg2[%dma_wait3A_281, %dma_wait3A_282] : memref<2600000x16xf32, #tpu.memory_space<hbm>> -> memref<2600000x16xf32, #tpu.memory_space<hbm>>
      tpu.wait_indirect_dma semaphore(%arg7 : memref<!tpu.dma_semaphore, #tpu.memory_space<semaphore_mem>>) src(%dma_wait3A_283 : memref<2600000x16xf32, #tpu.memory_space<hbm>>) dst(%dma_wait3A_277 : memref<128x16xf32, #tpu.memory_space<vmem>>)
      %dma_wait3A_284 = arith.constant 1536 : i32
      %dma_wait3A_285 = arith.constant 0 : i32
      %dma_wait3A_286 = tpu.memref_slice %arg6[%dma_wait3A_284, %dma_wait3A_285] : memref<1664x16xf32, #tpu.memory_space<vmem>> -> memref<128x16xf32, #tpu.memory_space<vmem>>
      %dma_wait3A_287 = arith.constant 0 : i32
      %dma_wait3A_288 = tpu.memref_slice %arg5[%add3A_167, %dma_wait3A_287] : memref<104x128xi32, #tpu.memory_space<vmem>> -> memref<1x128xi32, #tpu.memory_space<vmem>>
      %dma_wait3A_289 = tpu.memref_squeeze %dma_wait3A_288 : memref<1x128xi32, #tpu.memory_space<vmem>> -> memref<128xi32, #tpu.memory_space<vmem>>
      %dma_wait3A_290 = arith.constant 0 : i32
      %dma_wait3A_291 = arith.constant 0 : i32
      %dma_wait3A_292 = tpu.memref_slice %arg2[%dma_wait3A_290, %dma_wait3A_291] : memref<2600000x16xf32, #tpu.memory_space<hbm>> -> memref<2600000x16xf32, #tpu.memory_space<hbm>>
      tpu.wait_indirect_dma semaphore(%arg7 : memref<!tpu.dma_semaphore, #tpu.memory_space<semaphore_mem>>) src(%dma_wait3A_292 : memref<2600000x16xf32, #tpu.memory_space<hbm>>) dst(%dma_wait3A_286 : memref<128x16xf32, #tpu.memory_space<vmem>>)
      %mul3A_293 = arith.constant 13312 : i32
      %mul3A_294 = arith.muli %add3A, %mul3A_293 : i32
      %mul3A_295 = arith.constant 1664 : i32
      %mul3A_296 = arith.muli %scan3A_7, %mul3A_295 : i32
      %add3A_297 = arith.addi %mul3A_294, %mul3A_296 : i32
      "tpu.region"() ({
        %run_scoped3A = tpu.sem_alloc : memref<!tpu.dma_semaphore, #tpu.memory_space<semaphore_mem>>
        %dma_start3A_299 = arith.constant 0 : i32
        %dma_start3A_300 = tpu.memref_slice %arg4[%add3A_297, %dma_start3A_299] : memref<425984x16xf32, #tpu.memory_space<hbm>> -> memref<1664x16xf32, #tpu.memory_space<hbm>>
        %dma_start3A_301 = arith.constant 0 : i32
        %dma_start3A_302 = tpu.memref_slice %arg4[%add3A_297, %dma_start3A_301] : memref<425984x16xf32, #tpu.memory_space<hbm>> -> memref<1664x16xf32, #tpu.memory_space<hbm>>
        tpu.enqueue_dma source(%arg6 : memref<1664x16xf32, #tpu.memory_space<vmem>>) target(%dma_start3A_302 : memref<1664x16xf32, #tpu.memory_space<hbm>>) target_semaphore(%run_scoped3A : memref<!tpu.dma_semaphore, #tpu.memory_space<semaphore_mem>>)
        %dma_wait3A_303 = arith.constant 0 : i32
        %dma_wait3A_304 = tpu.memref_slice %arg4[%add3A_297, %dma_wait3A_303] : memref<425984x16xf32, #tpu.memory_space<hbm>> -> memref<1664x16xf32, #tpu.memory_space<hbm>>
        %dma_wait3A_305 = arith.constant 0 : i32
        %dma_wait3A_306 = tpu.memref_slice %arg4[%add3A_297, %dma_wait3A_305] : memref<425984x16xf32, #tpu.memory_space<hbm>> -> memref<1664x16xf32, #tpu.memory_space<hbm>>
        tpu.wait_dma2 semaphore(%run_scoped3A : memref<!tpu.dma_semaphore, #tpu.memory_space<semaphore_mem>>) src(%arg6 : memref<1664x16xf32, #tpu.memory_space<vmem>>) dst(%dma_wait3A_306 : memref<1664x16xf32, #tpu.memory_space<hbm>>)
        tpu.yield
      }) : () -> ()
      %scan3A_298 = arith.constant 0 : i32
      scf.yield %scan3A_298 : i32
    }
    %scan3A_6 = arith.constant 8 : i32
    return
  }
}

module attributes {stable_mosaic.version = 14 : i64} {
  func.func @_mlp_body(%arg0: i32, %arg1: i32, %arg2: memref<2048x416xf32, #tpu.memory_space<vmem>>, %arg3: memref<416x256xf32, #tpu.memory_space<vmem>>, %arg4: memref<1x256xf32, #tpu.memory_space<vmem>>, %arg5: memref<1x256xf32, #tpu.memory_space<vmem>>, %arg6: memref<1x256xf32, #tpu.memory_space<vmem>>, %arg7: memref<256x256xf32, #tpu.memory_space<vmem>>, %arg8: memref<1x256xf32, #tpu.memory_space<vmem>>, %arg9: memref<1x256xf32, #tpu.memory_space<vmem>>, %arg10: memref<1x256xf32, #tpu.memory_space<vmem>>, %arg11: memref<256x128xf32, #tpu.memory_space<vmem>>, %arg12: memref<1x128xf32, #tpu.memory_space<vmem>>, %arg13: memref<1x128xf32, #tpu.memory_space<vmem>>, %arg14: memref<1x128xf32, #tpu.memory_space<vmem>>, %arg15: memref<128x1xf32, #tpu.memory_space<vmem>>, %arg16: memref<1xf32, #tpu.memory_space<vmem>>, %arg17: memref<2048xf32, #tpu.memory_space<vmem>>, %arg18: memref<16384x256xf32, #tpu.memory_space<vmem>>, %arg19: memref<16384x128xf32, #tpu.memory_space<vmem>>, %arg20: memref<1x256xf32, #tpu.memory_space<vmem>>, %arg21: memref<1x256xf32, #tpu.memory_space<vmem>>, %arg22: memref<1x256xf32, #tpu.memory_space<vmem>>, %arg23: memref<1x256xf32, #tpu.memory_space<vmem>>, %arg24: memref<1x128xf32, #tpu.memory_space<vmem>>, %arg25: memref<1x128xf32, #tpu.memory_space<vmem>>) attributes {dimension_semantics = [#tpu.dimension_semantics<arbitrary>, #tpu.dimension_semantics<arbitrary>], iteration_bounds = array<i64: 4, 8>, scalar_prefetch = 0 : i64, scratch_operands = 8 : i64, tpu.core_type = #tpu.core_type<tc>, window_params = [{transform_indices = @transform_0, window_bounds = array<i64: 2048, 416>}, {pipeline_mode = #tpu.pipeline_mode<synchronous>, transform_indices = @transform_1, window_bounds = array<i64: 416, 256>}, {pipeline_mode = #tpu.pipeline_mode<synchronous>, transform_indices = @transform_2, window_bounds = array<i64: 1, 256>}, {pipeline_mode = #tpu.pipeline_mode<synchronous>, transform_indices = @transform_3, window_bounds = array<i64: 1, 256>}, {pipeline_mode = #tpu.pipeline_mode<synchronous>, transform_indices = @transform_4, window_bounds = array<i64: 1, 256>}, {pipeline_mode = #tpu.pipeline_mode<synchronous>, transform_indices = @transform_5, window_bounds = array<i64: 256, 256>}, {pipeline_mode = #tpu.pipeline_mode<synchronous>, transform_indices = @transform_6, window_bounds = array<i64: 1, 256>}, {pipeline_mode = #tpu.pipeline_mode<synchronous>, transform_indices = @transform_7, window_bounds = array<i64: 1, 256>}, {pipeline_mode = #tpu.pipeline_mode<synchronous>, transform_indices = @transform_8, window_bounds = array<i64: 1, 256>}, {pipeline_mode = #tpu.pipeline_mode<synchronous>, transform_indices = @transform_9, window_bounds = array<i64: 256, 128>}, {pipeline_mode = #tpu.pipeline_mode<synchronous>, transform_indices = @transform_10, window_bounds = array<i64: 1, 128>}, {pipeline_mode = #tpu.pipeline_mode<synchronous>, transform_indices = @transform_11, window_bounds = array<i64: 1, 128>}, {pipeline_mode = #tpu.pipeline_mode<synchronous>, transform_indices = @transform_12, window_bounds = array<i64: 1, 128>}, {pipeline_mode = #tpu.pipeline_mode<synchronous>, transform_indices = @transform_13, window_bounds = array<i64: 128, 1>}, {pipeline_mode = #tpu.pipeline_mode<synchronous>, transform_indices = @transform_14, window_bounds = array<i64: 1>}, {transform_indices = @transform_15, window_bounds = array<i64: 2048>}]} {
    %mul3A = arith.constant 2048 : i32
    %mul3A_0 = arith.muli %arg1, %mul3A : i32
    %eq3A = arith.constant 0 : i32
    %eq3A_1 = arith.cmpi eq, %arg0, %eq3A : i32
    %convert_element_type3A = arith.extui %eq3A_1 : i1 to i32
    %cond3A = arith.constant 0 : i32
    %cond3A_2 = arith.cmpi ne, %convert_element_type3A, %cond3A : i32
    scf.if %cond3A_2 {
      %get3A = arith.constant 0 : index
      %get3A_18 = arith.constant 0 : index
      %get3A_19 = vector.load %arg2[%get3A, %get3A_18] : memref<2048x416xf32, #tpu.memory_space<vmem>>, vector<2048x416xf32>
      %get3A_20 = arith.constant 0 : index
      %get3A_21 = arith.constant 0 : index
      %get3A_22 = vector.load %arg3[%get3A_20, %get3A_21] : memref<416x256xf32, #tpu.memory_space<vmem>>, vector<416x256xf32>
      %dot_general3A = arith.constant dense<0.000000e+00> : vector<2048x256xf32>
      %dot_general3A_23 = tpu.matmul %get3A_19, %get3A_22, %dot_general3A {dimension_numbers = #tpu.dot_dimension_numbers<[1], [0], [0], [1], [0, 0, 1, 1], [], []>, transpose_lhs_hint = false} : vector<2048x416xf32>, vector<416x256xf32>, vector<2048x256xf32> -> vector<2048x256xf32>
      %get3A_24 = arith.constant 0 : index
      %get3A_25 = arith.constant 0 : index
      %get3A_26 = vector.load %arg4[%get3A_24, %get3A_25] : memref<1x256xf32, #tpu.memory_space<vmem>>, vector<1x256xf32>
      %add3A = vector.broadcast %get3A_26 : vector<1x256xf32> to vector<2048x256xf32>
      %add3A_27 = arith.addf %dot_general3A_23, %add3A : vector<2048x256xf32>
      %swap3A = arith.index_cast %mul3A_0 : i32 to index
      %swap3A_28 = arith.constant 0 : index
      %swap3A_29 = vector.load %arg18[%swap3A, %swap3A_28] : memref<16384x256xf32, #tpu.memory_space<vmem>>, vector<2048x256xf32>
      tpu.vector_store %arg18[%swap3A, %swap3A_28], %add3A_27 {strides = array<i32>} : memref<16384x256xf32, #tpu.memory_space<vmem>>, vector<2048x256xf32>,
      %eq3A_30 = arith.constant 0 : i32
      %eq3A_31 = arith.cmpi eq, %arg1, %eq3A_30 : i32
      %convert_element_type3A_32 = arith.extui %eq3A_31 : i1 to i32
      %cond3A_33 = arith.constant 0 : i32
      %cond3A_34 = arith.cmpi ne, %convert_element_type3A_32, %cond3A_33 : i32
      scf.if %cond3A_34 {
        %broadcast_in_dim3A_54 = arith.constant 0.000000e+00 : f32
        %broadcast_in_dim3A_55 = vector.broadcast %broadcast_in_dim3A_54 : f32 to vector<1x256xf32>
        %swap3A_56 = arith.constant 0 : index
        %swap3A_57 = arith.constant 0 : index
        %swap3A_58 = vector.load %arg20[%swap3A_56, %swap3A_57] : memref<1x256xf32, #tpu.memory_space<vmem>>, vector<1x256xf32>
        tpu.vector_store %arg20[%swap3A_56, %swap3A_57], %broadcast_in_dim3A_55 {strides = array<i32>} : memref<1x256xf32, #tpu.memory_space<vmem>>, vector<1x256xf32>,
        %broadcast_in_dim3A_59 = arith.constant 0.000000e+00 : f32
        %broadcast_in_dim3A_60 = vector.broadcast %broadcast_in_dim3A_59 : f32 to vector<1x256xf32>
        %swap3A_61 = arith.constant 0 : index
        %swap3A_62 = arith.constant 0 : index
        %swap3A_63 = vector.load %arg21[%swap3A_61, %swap3A_62] : memref<1x256xf32, #tpu.memory_space<vmem>>, vector<1x256xf32>
        tpu.vector_store %arg21[%swap3A_61, %swap3A_62], %broadcast_in_dim3A_60 {strides = array<i32>} : memref<1x256xf32, #tpu.memory_space<vmem>>, vector<1x256xf32>,
      } else {
      }
      %get3A_35 = arith.constant 0 : index
      %get3A_36 = arith.constant 0 : index
      %get3A_37 = vector.load %arg20[%get3A_35, %get3A_36] : memref<1x256xf32, #tpu.memory_space<vmem>>, vector<1x256xf32>
      %reduce_sum3A = arith.constant dense<0.000000e+00> : vector<256xf32>
      %reduce_sum3A_38 = vector.multi_reduction <add>, %add3A_27, %reduce_sum3A [0] : vector<2048x256xf32> to vector<256xf32>
      %broadcast_in_dim3A = vector.shape_cast %reduce_sum3A_38 : vector<256xf32> to vector<1x256xf32>
      %add3A_39 = arith.addf %get3A_37, %broadcast_in_dim3A : vector<1x256xf32>
      %swap3A_40 = arith.constant 0 : index
      %swap3A_41 = arith.constant 0 : index
      %swap3A_42 = vector.load %arg20[%swap3A_40, %swap3A_41] : memref<1x256xf32, #tpu.memory_space<vmem>>, vector<1x256xf32>
      tpu.vector_store %arg20[%swap3A_40, %swap3A_41], %add3A_39 {strides = array<i32>} : memref<1x256xf32, #tpu.memory_space<vmem>>, vector<1x256xf32>,
      %get3A_43 = arith.constant 0 : index
      %get3A_44 = arith.constant 0 : index
      %get3A_45 = vector.load %arg21[%get3A_43, %get3A_44] : memref<1x256xf32, #tpu.memory_space<vmem>>, vector<1x256xf32>
      %mul3A_46 = arith.mulf %add3A_27, %add3A_27 : vector<2048x256xf32>
      %reduce_sum3A_47 = arith.constant dense<0.000000e+00> : vector<256xf32>
      %reduce_sum3A_48 = vector.multi_reduction <add>, %mul3A_46, %reduce_sum3A_47 [0] : vector<2048x256xf32> to vector<256xf32>
      %broadcast_in_dim3A_49 = vector.shape_cast %reduce_sum3A_48 : vector<256xf32> to vector<1x256xf32>
      %add3A_50 = arith.addf %get3A_45, %broadcast_in_dim3A_49 : vector<1x256xf32>
      %swap3A_51 = arith.constant 0 : index
      %swap3A_52 = arith.constant 0 : index
      %swap3A_53 = vector.load %arg21[%swap3A_51, %swap3A_52] : memref<1x256xf32, #tpu.memory_space<vmem>>, vector<1x256xf32>
      tpu.vector_store %arg21[%swap3A_51, %swap3A_52], %add3A_50 {strides = array<i32>} : memref<1x256xf32, #tpu.memory_space<vmem>>, vector<1x256xf32>,
    } else {
    }
    %eq3A_3 = arith.constant 1 : i32
    %eq3A_4 = arith.cmpi eq, %arg0, %eq3A_3 : i32
    %convert_element_type3A_5 = arith.extui %eq3A_4 : i1 to i32
    %cond3A_6 = arith.constant 0 : i32
    %cond3A_7 = arith.cmpi ne, %convert_element_type3A_5, %cond3A_6 : i32
    scf.if %cond3A_7 {
      %get3A = arith.constant 0 : index
      %get3A_18 = arith.constant 0 : index
      %get3A_19 = vector.load %arg20[%get3A, %get3A_18] : memref<1x256xf32, #tpu.memory_space<vmem>>, vector<1x256xf32>
      %div3A = arith.constant 1.638400e+04 : f32
      %div3A_20 = vector.broadcast %div3A : f32 to vector<1x256xf32>
      %div3A_21 = arith.divf %get3A_19, %div3A_20 : vector<1x256xf32>
      %get3A_22 = arith.constant 0 : index
      %get3A_23 = arith.constant 0 : index
      %get3A_24 = vector.load %arg21[%get3A_22, %get3A_23] : memref<1x256xf32, #tpu.memory_space<vmem>>, vector<1x256xf32>
      %div3A_25 = arith.constant 1.638400e+04 : f32
      %div3A_26 = vector.broadcast %div3A_25 : f32 to vector<1x256xf32>
      %div3A_27 = arith.divf %get3A_24, %div3A_26 : vector<1x256xf32>
      %mul3A_28 = arith.mulf %div3A_21, %div3A_21 : vector<1x256xf32>
      %sub3A = arith.subf %div3A_27, %mul3A_28 : vector<1x256xf32>
      %get3A_29 = arith.constant 0 : index
      %get3A_30 = arith.constant 0 : index
      %get3A_31 = vector.load %arg5[%get3A_29, %get3A_30] : memref<1x256xf32, #tpu.memory_space<vmem>>, vector<1x256xf32>
      %add3A = arith.constant 9.99999974E-6 : f32
      %add3A_32 = vector.broadcast %add3A : f32 to vector<1x256xf32>
      %add3A_33 = arith.addf %sub3A, %add3A_32 : vector<1x256xf32>
      %rsqrt3A = math.rsqrt %add3A_33 : vector<1x256xf32>
      %mul3A_34 = arith.mulf %get3A_31, %rsqrt3A : vector<1x256xf32>
      %get3A_35 = arith.constant 0 : index
      %get3A_36 = arith.constant 0 : index
      %get3A_37 = vector.load %arg6[%get3A_35, %get3A_36] : memref<1x256xf32, #tpu.memory_space<vmem>>, vector<1x256xf32>
      %mul3A_38 = arith.mulf %div3A_21, %mul3A_34 : vector<1x256xf32>
      %sub3A_39 = arith.subf %get3A_37, %mul3A_38 : vector<1x256xf32>
      %get3A_40 = arith.index_cast %mul3A_0 : i32 to index
      %get3A_41 = arith.constant 0 : index
      %get3A_42 = vector.load %arg18[%get3A_40, %get3A_41] : memref<16384x256xf32, #tpu.memory_space<vmem>>, vector<2048x256xf32>
      %mul3A_43 = vector.broadcast %mul3A_34 : vector<1x256xf32> to vector<2048x256xf32>
      %mul3A_44 = arith.mulf %get3A_42, %mul3A_43 : vector<2048x256xf32>
      %add3A_45 = vector.broadcast %sub3A_39 : vector<1x256xf32> to vector<2048x256xf32>
      %add3A_46 = arith.addf %mul3A_44, %add3A_45 : vector<2048x256xf32>
      %ge3A = arith.constant 0.000000e+00 : f32
      %ge3A_47 = vector.broadcast %ge3A : f32 to vector<2048x256xf32>
      %ge3A_48 = arith.cmpf oge, %add3A_46, %ge3A_47 : vector<2048x256xf32>
      %mul3A_49 = arith.constant 0.00999999977 : f32
      %mul3A_50 = vector.broadcast %mul3A_49 : f32 to vector<2048x256xf32>
      %mul3A_51 = arith.mulf %mul3A_50, %add3A_46 : vector<2048x256xf32>
      %select_n3A = arith.select %ge3A_48, %add3A_46, %mul3A_51 : vector<2048x256xi1>, vector<2048x256xf32>
      %get3A_52 = arith.constant 0 : index
      %get3A_53 = arith.constant 0 : index
      %get3A_54 = vector.load %arg7[%get3A_52, %get3A_53] : memref<256x256xf32, #tpu.memory_space<vmem>>, vector<256x256xf32>
      %dot_general3A = arith.constant dense<0.000000e+00> : vector<2048x256xf32>
      %dot_general3A_55 = tpu.matmul %select_n3A, %get3A_54, %dot_general3A {dimension_numbers = #tpu.dot_dimension_numbers<[1], [0], [0], [1], [0, 0, 1, 1], [], []>, transpose_lhs_hint = false} : vector<2048x256xf32>, vector<256x256xf32>, vector<2048x256xf32> -> vector<2048x256xf32>
      %get3A_56 = arith.constant 0 : index
      %get3A_57 = arith.constant 0 : index
      %get3A_58 = vector.load %arg8[%get3A_56, %get3A_57] : memref<1x256xf32, #tpu.memory_space<vmem>>, vector<1x256xf32>
      %add3A_59 = vector.broadcast %get3A_58 : vector<1x256xf32> to vector<2048x256xf32>
      %add3A_60 = arith.addf %dot_general3A_55, %add3A_59 : vector<2048x256xf32>
      %swap3A = arith.index_cast %mul3A_0 : i32 to index
      %swap3A_61 = arith.constant 0 : index
      %swap3A_62 = vector.load %arg18[%swap3A, %swap3A_61] : memref<16384x256xf32, #tpu.memory_space<vmem>>, vector<2048x256xf32>
      tpu.vector_store %arg18[%swap3A, %swap3A_61], %add3A_60 {strides = array<i32>} : memref<16384x256xf32, #tpu.memory_space<vmem>>, vector<2048x256xf32>,
      %eq3A_63 = arith.constant 0 : i32
      %eq3A_64 = arith.cmpi eq, %arg1, %eq3A_63 : i32
      %convert_element_type3A_65 = arith.extui %eq3A_64 : i1 to i32
      %cond3A_66 = arith.constant 0 : i32
      %cond3A_67 = arith.cmpi ne, %convert_element_type3A_65, %cond3A_66 : i32
      scf.if %cond3A_67 {
        %broadcast_in_dim3A_87 = arith.constant 0.000000e+00 : f32
        %broadcast_in_dim3A_88 = vector.broadcast %broadcast_in_dim3A_87 : f32 to vector<1x256xf32>
        %swap3A_89 = arith.constant 0 : index
        %swap3A_90 = arith.constant 0 : index
        %swap3A_91 = vector.load %arg22[%swap3A_89, %swap3A_90] : memref<1x256xf32, #tpu.memory_space<vmem>>, vector<1x256xf32>
        tpu.vector_store %arg22[%swap3A_89, %swap3A_90], %broadcast_in_dim3A_88 {strides = array<i32>} : memref<1x256xf32, #tpu.memory_space<vmem>>, vector<1x256xf32>,
        %broadcast_in_dim3A_92 = arith.constant 0.000000e+00 : f32
        %broadcast_in_dim3A_93 = vector.broadcast %broadcast_in_dim3A_92 : f32 to vector<1x256xf32>
        %swap3A_94 = arith.constant 0 : index
        %swap3A_95 = arith.constant 0 : index
        %swap3A_96 = vector.load %arg23[%swap3A_94, %swap3A_95] : memref<1x256xf32, #tpu.memory_space<vmem>>, vector<1x256xf32>
        tpu.vector_store %arg23[%swap3A_94, %swap3A_95], %broadcast_in_dim3A_93 {strides = array<i32>} : memref<1x256xf32, #tpu.memory_space<vmem>>, vector<1x256xf32>,
      } else {
      }
      %get3A_68 = arith.constant 0 : index
      %get3A_69 = arith.constant 0 : index
      %get3A_70 = vector.load %arg22[%get3A_68, %get3A_69] : memref<1x256xf32, #tpu.memory_space<vmem>>, vector<1x256xf32>
      %reduce_sum3A = arith.constant dense<0.000000e+00> : vector<256xf32>
      %reduce_sum3A_71 = vector.multi_reduction <add>, %add3A_60, %reduce_sum3A [0] : vector<2048x256xf32> to vector<256xf32>
      %broadcast_in_dim3A = vector.shape_cast %reduce_sum3A_71 : vector<256xf32> to vector<1x256xf32>
      %add3A_72 = arith.addf %get3A_70, %broadcast_in_dim3A : vector<1x256xf32>
      %swap3A_73 = arith.constant 0 : index
      %swap3A_74 = arith.constant 0 : index
      %swap3A_75 = vector.load %arg22[%swap3A_73, %swap3A_74] : memref<1x256xf32, #tpu.memory_space<vmem>>, vector<1x256xf32>
      tpu.vector_store %arg22[%swap3A_73, %swap3A_74], %add3A_72 {strides = array<i32>} : memref<1x256xf32, #tpu.memory_space<vmem>>, vector<1x256xf32>,
      %get3A_76 = arith.constant 0 : index
      %get3A_77 = arith.constant 0 : index
      %get3A_78 = vector.load %arg23[%get3A_76, %get3A_77] : memref<1x256xf32, #tpu.memory_space<vmem>>, vector<1x256xf32>
      %mul3A_79 = arith.mulf %add3A_60, %add3A_60 : vector<2048x256xf32>
      %reduce_sum3A_80 = arith.constant dense<0.000000e+00> : vector<256xf32>
      %reduce_sum3A_81 = vector.multi_reduction <add>, %mul3A_79, %reduce_sum3A_80 [0] : vector<2048x256xf32> to vector<256xf32>
      %broadcast_in_dim3A_82 = vector.shape_cast %reduce_sum3A_81 : vector<256xf32> to vector<1x256xf32>
      %add3A_83 = arith.addf %get3A_78, %broadcast_in_dim3A_82 : vector<1x256xf32>
      %swap3A_84 = arith.constant 0 : index
      %swap3A_85 = arith.constant 0 : index
      %swap3A_86 = vector.load %arg23[%swap3A_84, %swap3A_85] : memref<1x256xf32, #tpu.memory_space<vmem>>, vector<1x256xf32>
      tpu.vector_store %arg23[%swap3A_84, %swap3A_85], %add3A_83 {strides = array<i32>} : memref<1x256xf32, #tpu.memory_space<vmem>>, vector<1x256xf32>,
    } else {
    }
    %eq3A_8 = arith.constant 2 : i32
    %eq3A_9 = arith.cmpi eq, %arg0, %eq3A_8 : i32
    %convert_element_type3A_10 = arith.extui %eq3A_9 : i1 to i32
    %cond3A_11 = arith.constant 0 : i32
    %cond3A_12 = arith.cmpi ne, %convert_element_type3A_10, %cond3A_11 : i32
    scf.if %cond3A_12 {
      %get3A = arith.constant 0 : index
      %get3A_18 = arith.constant 0 : index
      %get3A_19 = vector.load %arg22[%get3A, %get3A_18] : memref<1x256xf32, #tpu.memory_space<vmem>>, vector<1x256xf32>
      %div3A = arith.constant 1.638400e+04 : f32
      %div3A_20 = vector.broadcast %div3A : f32 to vector<1x256xf32>
      %div3A_21 = arith.divf %get3A_19, %div3A_20 : vector<1x256xf32>
      %get3A_22 = arith.constant 0 : index
      %get3A_23 = arith.constant 0 : index
      %get3A_24 = vector.load %arg23[%get3A_22, %get3A_23] : memref<1x256xf32, #tpu.memory_space<vmem>>, vector<1x256xf32>
      %div3A_25 = arith.constant 1.638400e+04 : f32
      %div3A_26 = vector.broadcast %div3A_25 : f32 to vector<1x256xf32>
      %div3A_27 = arith.divf %get3A_24, %div3A_26 : vector<1x256xf32>
      %mul3A_28 = arith.mulf %div3A_21, %div3A_21 : vector<1x256xf32>
      %sub3A = arith.subf %div3A_27, %mul3A_28 : vector<1x256xf32>
      %get3A_29 = arith.constant 0 : index
      %get3A_30 = arith.constant 0 : index
      %get3A_31 = vector.load %arg9[%get3A_29, %get3A_30] : memref<1x256xf32, #tpu.memory_space<vmem>>, vector<1x256xf32>
      %add3A = arith.constant 9.99999974E-6 : f32
      %add3A_32 = vector.broadcast %add3A : f32 to vector<1x256xf32>
      %add3A_33 = arith.addf %sub3A, %add3A_32 : vector<1x256xf32>
      %rsqrt3A = math.rsqrt %add3A_33 : vector<1x256xf32>
      %mul3A_34 = arith.mulf %get3A_31, %rsqrt3A : vector<1x256xf32>
      %get3A_35 = arith.constant 0 : index
      %get3A_36 = arith.constant 0 : index
      %get3A_37 = vector.load %arg10[%get3A_35, %get3A_36] : memref<1x256xf32, #tpu.memory_space<vmem>>, vector<1x256xf32>
      %mul3A_38 = arith.mulf %div3A_21, %mul3A_34 : vector<1x256xf32>
      %sub3A_39 = arith.subf %get3A_37, %mul3A_38 : vector<1x256xf32>
      %get3A_40 = arith.index_cast %mul3A_0 : i32 to index
      %get3A_41 = arith.constant 0 : index
      %get3A_42 = vector.load %arg18[%get3A_40, %get3A_41] : memref<16384x256xf32, #tpu.memory_space<vmem>>, vector<2048x256xf32>
      %mul3A_43 = vector.broadcast %mul3A_34 : vector<1x256xf32> to vector<2048x256xf32>
      %mul3A_44 = arith.mulf %get3A_42, %mul3A_43 : vector<2048x256xf32>
      %add3A_45 = vector.broadcast %sub3A_39 : vector<1x256xf32> to vector<2048x256xf32>
      %add3A_46 = arith.addf %mul3A_44, %add3A_45 : vector<2048x256xf32>
      %ge3A = arith.constant 0.000000e+00 : f32
      %ge3A_47 = vector.broadcast %ge3A : f32 to vector<2048x256xf32>
      %ge3A_48 = arith.cmpf oge, %add3A_46, %ge3A_47 : vector<2048x256xf32>
      %mul3A_49 = arith.constant 0.00999999977 : f32
      %mul3A_50 = vector.broadcast %mul3A_49 : f32 to vector<2048x256xf32>
      %mul3A_51 = arith.mulf %mul3A_50, %add3A_46 : vector<2048x256xf32>
      %select_n3A = arith.select %ge3A_48, %add3A_46, %mul3A_51 : vector<2048x256xi1>, vector<2048x256xf32>
      %get3A_52 = arith.constant 0 : index
      %get3A_53 = arith.constant 0 : index
      %get3A_54 = vector.load %arg11[%get3A_52, %get3A_53] : memref<256x128xf32, #tpu.memory_space<vmem>>, vector<256x128xf32>
      %dot_general3A = arith.constant dense<0.000000e+00> : vector<2048x128xf32>
      %dot_general3A_55 = tpu.matmul %select_n3A, %get3A_54, %dot_general3A {dimension_numbers = #tpu.dot_dimension_numbers<[1], [0], [0], [1], [0, 0, 1, 1], [], []>, transpose_lhs_hint = false} : vector<2048x256xf32>, vector<256x128xf32>, vector<2048x128xf32> -> vector<2048x128xf32>
      %get3A_56 = arith.constant 0 : index
      %get3A_57 = arith.constant 0 : index
      %get3A_58 = vector.load %arg12[%get3A_56, %get3A_57] : memref<1x128xf32, #tpu.memory_space<vmem>>, vector<1x128xf32>
      %add3A_59 = vector.broadcast %get3A_58 : vector<1x128xf32> to vector<2048x128xf32>
      %add3A_60 = arith.addf %dot_general3A_55, %add3A_59 : vector<2048x128xf32>
      %swap3A = arith.index_cast %mul3A_0 : i32 to index
      %swap3A_61 = arith.constant 0 : index
      %swap3A_62 = vector.load %arg19[%swap3A, %swap3A_61] : memref<16384x128xf32, #tpu.memory_space<vmem>>, vector<2048x128xf32>
      tpu.vector_store %arg19[%swap3A, %swap3A_61], %add3A_60 {strides = array<i32>} : memref<16384x128xf32, #tpu.memory_space<vmem>>, vector<2048x128xf32>,
      %eq3A_63 = arith.constant 0 : i32
      %eq3A_64 = arith.cmpi eq, %arg1, %eq3A_63 : i32
      %convert_element_type3A_65 = arith.extui %eq3A_64 : i1 to i32
      %cond3A_66 = arith.constant 0 : i32
      %cond3A_67 = arith.cmpi ne, %convert_element_type3A_65, %cond3A_66 : i32
      scf.if %cond3A_67 {
        %broadcast_in_dim3A_87 = arith.constant 0.000000e+00 : f32
        %broadcast_in_dim3A_88 = vector.broadcast %broadcast_in_dim3A_87 : f32 to vector<1x128xf32>
        %swap3A_89 = arith.constant 0 : index
        %swap3A_90 = arith.constant 0 : index
        %swap3A_91 = vector.load %arg24[%swap3A_89, %swap3A_90] : memref<1x128xf32, #tpu.memory_space<vmem>>, vector<1x128xf32>
        tpu.vector_store %arg24[%swap3A_89, %swap3A_90], %broadcast_in_dim3A_88 {strides = array<i32>} : memref<1x128xf32, #tpu.memory_space<vmem>>, vector<1x128xf32>,
        %broadcast_in_dim3A_92 = arith.constant 0.000000e+00 : f32
        %broadcast_in_dim3A_93 = vector.broadcast %broadcast_in_dim3A_92 : f32 to vector<1x128xf32>
        %swap3A_94 = arith.constant 0 : index
        %swap3A_95 = arith.constant 0 : index
        %swap3A_96 = vector.load %arg25[%swap3A_94, %swap3A_95] : memref<1x128xf32, #tpu.memory_space<vmem>>, vector<1x128xf32>
        tpu.vector_store %arg25[%swap3A_94, %swap3A_95], %broadcast_in_dim3A_93 {strides = array<i32>} : memref<1x128xf32, #tpu.memory_space<vmem>>, vector<1x128xf32>,
      } else {
      }
      %get3A_68 = arith.constant 0 : index
      %get3A_69 = arith.constant 0 : index
      %get3A_70 = vector.load %arg24[%get3A_68, %get3A_69] : memref<1x128xf32, #tpu.memory_space<vmem>>, vector<1x128xf32>
      %reduce_sum3A = arith.constant dense<0.000000e+00> : vector<128xf32>
      %reduce_sum3A_71 = vector.multi_reduction <add>, %add3A_60, %reduce_sum3A [0] : vector<2048x128xf32> to vector<128xf32>
      %broadcast_in_dim3A = vector.shape_cast %reduce_sum3A_71 : vector<128xf32> to vector<1x128xf32>
      %add3A_72 = arith.addf %get3A_70, %broadcast_in_dim3A : vector<1x128xf32>
      %swap3A_73 = arith.constant 0 : index
      %swap3A_74 = arith.constant 0 : index
      %swap3A_75 = vector.load %arg24[%swap3A_73, %swap3A_74] : memref<1x128xf32, #tpu.memory_space<vmem>>, vector<1x128xf32>
      tpu.vector_store %arg24[%swap3A_73, %swap3A_74], %add3A_72 {strides = array<i32>} : memref<1x128xf32, #tpu.memory_space<vmem>>, vector<1x128xf32>,
      %get3A_76 = arith.constant 0 : index
      %get3A_77 = arith.constant 0 : index
      %get3A_78 = vector.load %arg25[%get3A_76, %get3A_77] : memref<1x128xf32, #tpu.memory_space<vmem>>, vector<1x128xf32>
      %mul3A_79 = arith.mulf %add3A_60, %add3A_60 : vector<2048x128xf32>
      %reduce_sum3A_80 = arith.constant dense<0.000000e+00> : vector<128xf32>
      %reduce_sum3A_81 = vector.multi_reduction <add>, %mul3A_79, %reduce_sum3A_80 [0] : vector<2048x128xf32> to vector<128xf32>
      %broadcast_in_dim3A_82 = vector.shape_cast %reduce_sum3A_81 : vector<128xf32> to vector<1x128xf32>
      %add3A_83 = arith.addf %get3A_78, %broadcast_in_dim3A_82 : vector<1x128xf32>
      %swap3A_84 = arith.constant 0 : index
      %swap3A_85 = arith.constant 0 : index
      %swap3A_86 = vector.load %arg25[%swap3A_84, %swap3A_85] : memref<1x128xf32, #tpu.memory_space<vmem>>, vector<1x128xf32>
      tpu.vector_store %arg25[%swap3A_84, %swap3A_85], %add3A_83 {strides = array<i32>} : memref<1x128xf32, #tpu.memory_space<vmem>>, vector<1x128xf32>,
    } else {
    }
    %eq3A_13 = arith.constant 3 : i32
    %eq3A_14 = arith.cmpi eq, %arg0, %eq3A_13 : i32
    %convert_element_type3A_15 = arith.extui %eq3A_14 : i1 to i32
    %cond3A_16 = arith.constant 0 : i32
    %cond3A_17 = arith.cmpi ne, %convert_element_type3A_15, %cond3A_16 : i32
    scf.if %cond3A_17 {
      %get3A = arith.constant 0 : index
      %get3A_18 = arith.constant 0 : index
      %get3A_19 = vector.load %arg24[%get3A, %get3A_18] : memref<1x128xf32, #tpu.memory_space<vmem>>, vector<1x128xf32>
      %div3A = arith.constant 1.638400e+04 : f32
      %div3A_20 = vector.broadcast %div3A : f32 to vector<1x128xf32>
      %div3A_21 = arith.divf %get3A_19, %div3A_20 : vector<1x128xf32>
      %get3A_22 = arith.constant 0 : index
      %get3A_23 = arith.constant 0 : index
      %get3A_24 = vector.load %arg25[%get3A_22, %get3A_23] : memref<1x128xf32, #tpu.memory_space<vmem>>, vector<1x128xf32>
      %div3A_25 = arith.constant 1.638400e+04 : f32
      %div3A_26 = vector.broadcast %div3A_25 : f32 to vector<1x128xf32>
      %div3A_27 = arith.divf %get3A_24, %div3A_26 : vector<1x128xf32>
      %mul3A_28 = arith.mulf %div3A_21, %div3A_21 : vector<1x128xf32>
      %sub3A = arith.subf %div3A_27, %mul3A_28 : vector<1x128xf32>
      %get3A_29 = arith.constant 0 : index
      %get3A_30 = arith.constant 0 : index
      %get3A_31 = vector.load %arg13[%get3A_29, %get3A_30] : memref<1x128xf32, #tpu.memory_space<vmem>>, vector<1x128xf32>
      %add3A = arith.constant 9.99999974E-6 : f32
      %add3A_32 = vector.broadcast %add3A : f32 to vector<1x128xf32>
      %add3A_33 = arith.addf %sub3A, %add3A_32 : vector<1x128xf32>
      %rsqrt3A = math.rsqrt %add3A_33 : vector<1x128xf32>
      %mul3A_34 = arith.mulf %get3A_31, %rsqrt3A : vector<1x128xf32>
      %get3A_35 = arith.constant 0 : index
      %get3A_36 = arith.constant 0 : index
      %get3A_37 = vector.load %arg14[%get3A_35, %get3A_36] : memref<1x128xf32, #tpu.memory_space<vmem>>, vector<1x128xf32>
      %mul3A_38 = arith.mulf %div3A_21, %mul3A_34 : vector<1x128xf32>
      %sub3A_39 = arith.subf %get3A_37, %mul3A_38 : vector<1x128xf32>
      %get3A_40 = arith.index_cast %mul3A_0 : i32 to index
      %get3A_41 = arith.constant 0 : index
      %get3A_42 = vector.load %arg19[%get3A_40, %get3A_41] : memref<16384x128xf32, #tpu.memory_space<vmem>>, vector<2048x128xf32>
      %mul3A_43 = vector.broadcast %mul3A_34 : vector<1x128xf32> to vector<2048x128xf32>
      %mul3A_44 = arith.mulf %get3A_42, %mul3A_43 : vector<2048x128xf32>
      %add3A_45 = vector.broadcast %sub3A_39 : vector<1x128xf32> to vector<2048x128xf32>
      %add3A_46 = arith.addf %mul3A_44, %add3A_45 : vector<2048x128xf32>
      %ge3A = arith.constant 0.000000e+00 : f32
      %ge3A_47 = vector.broadcast %ge3A : f32 to vector<2048x128xf32>
      %ge3A_48 = arith.cmpf oge, %add3A_46, %ge3A_47 : vector<2048x128xf32>
      %mul3A_49 = arith.constant 0.00999999977 : f32
      %mul3A_50 = vector.broadcast %mul3A_49 : f32 to vector<2048x128xf32>
      %mul3A_51 = arith.mulf %mul3A_50, %add3A_46 : vector<2048x128xf32>
      %select_n3A = arith.select %ge3A_48, %add3A_46, %mul3A_51 : vector<2048x128xi1>, vector<2048x128xf32>
      %get3A_52 = arith.constant 0 : index
      %get3A_53 = arith.constant 0 : index
      %get3A_54 = vector.load %arg15[%get3A_52, %get3A_53] : memref<128x1xf32, #tpu.memory_space<vmem>>, vector<128x1xf32>
      %dot_general3A = arith.constant dense<0.000000e+00> : vector<2048x1xf32>
      %dot_general3A_55 = tpu.matmul %select_n3A, %get3A_54, %dot_general3A {dimension_numbers = #tpu.dot_dimension_numbers<[1], [0], [0], [1], [0, 0, 1, 1], [], []>, transpose_lhs_hint = false} : vector<2048x128xf32>, vector<128x1xf32>, vector<2048x1xf32> -> vector<2048x1xf32>
      %squeeze3A = vector.shape_cast %dot_general3A_55 : vector<2048x1xf32> to vector<2048xf32>
      %get3A_56 = arith.constant 0 : index
      %get3A_57 = vector.load %arg16[%get3A_56] : memref<1xf32, #tpu.memory_space<vmem>>, vector<1xf32>
      %get3A_58 = vector.extract %get3A_57[0] : f32 from vector<1xf32>
      %add3A_59 = vector.broadcast %get3A_58 : f32 to vector<2048xf32>
      %add3A_60 = arith.addf %squeeze3A, %add3A_59 : vector<2048xf32>
      %swap3A = arith.constant 0 : index
      %swap3A_61 = vector.load %arg17[%swap3A] : memref<2048xf32, #tpu.memory_space<vmem>>, vector<2048xf32>
      tpu.vector_store %arg17[%swap3A], %add3A_60 {strides = array<i32>} : memref<2048xf32, #tpu.memory_space<vmem>>, vector<2048xf32>,
    } else {
    }
    return
  }
  func.func @transform_0(%arg0: i32, %arg1: i32) -> (i32, i32) {
    %eq3A = arith.constant 0 : i32
    %eq3A_0 = arith.cmpi eq, %arg0, %eq3A : i32
    %jit3A = arith.constant 0 : i32
    %select_n3A = arith.select %eq3A_0, %arg1, %jit3A : i32
    %c0_i32 = arith.constant 0 : i32
    %c0_i32_1 = arith.constant 0 : i32
    return %select_n3A, %c0_i32 : i32, i32
  }
  func.func @transform_1(%arg0: i32, %arg1: i32) -> (i32, i32) {
    %c0_i32 = arith.constant 0 : i32
    %c0_i32_0 = arith.constant 0 : i32
    %c0_i32_1 = arith.constant 0 : i32
    return %c0_i32, %c0_i32_0 : i32, i32
  }
  func.func @transform_2(%arg0: i32, %arg1: i32) -> (i32, i32) {
    %c0_i32 = arith.constant 0 : i32
    %c0_i32_0 = arith.constant 0 : i32
    %c0_i32_1 = arith.constant 0 : i32
    return %c0_i32, %c0_i32_0 : i32, i32
  }
  func.func @transform_3(%arg0: i32, %arg1: i32) -> (i32, i32) {
    %c0_i32 = arith.constant 0 : i32
    %c0_i32_0 = arith.constant 0 : i32
    %c0_i32_1 = arith.constant 0 : i32
    return %c0_i32, %c0_i32_0 : i32, i32
  }
  func.func @transform_4(%arg0: i32, %arg1: i32) -> (i32, i32) {
    %c0_i32 = arith.constant 0 : i32
    %c0_i32_0 = arith.constant 0 : i32
    %c0_i32_1 = arith.constant 0 : i32
    return %c0_i32, %c0_i32_0 : i32, i32
  }
  func.func @transform_5(%arg0: i32, %arg1: i32) -> (i32, i32) {
    %c0_i32 = arith.constant 0 : i32
    %c0_i32_0 = arith.constant 0 : i32
    %c0_i32_1 = arith.constant 0 : i32
    return %c0_i32, %c0_i32_0 : i32, i32
  }
  func.func @transform_6(%arg0: i32, %arg1: i32) -> (i32, i32) {
    %c0_i32 = arith.constant 0 : i32
    %c0_i32_0 = arith.constant 0 : i32
    %c0_i32_1 = arith.constant 0 : i32
    return %c0_i32, %c0_i32_0 : i32, i32
  }
  func.func @transform_7(%arg0: i32, %arg1: i32) -> (i32, i32) {
    %c0_i32 = arith.constant 0 : i32
    %c0_i32_0 = arith.constant 0 : i32
    %c0_i32_1 = arith.constant 0 : i32
    return %c0_i32, %c0_i32_0 : i32, i32
  }
  func.func @transform_8(%arg0: i32, %arg1: i32) -> (i32, i32) {
    %c0_i32 = arith.constant 0 : i32
    %c0_i32_0 = arith.constant 0 : i32
    %c0_i32_1 = arith.constant 0 : i32
    return %c0_i32, %c0_i32_0 : i32, i32
  }
  func.func @transform_9(%arg0: i32, %arg1: i32) -> (i32, i32) {
    %c0_i32 = arith.constant 0 : i32
    %c0_i32_0 = arith.constant 0 : i32
    %c0_i32_1 = arith.constant 0 : i32
    return %c0_i32, %c0_i32_0 : i32, i32
  }
  func.func @transform_10(%arg0: i32, %arg1: i32) -> (i32, i32) {
    %c0_i32 = arith.constant 0 : i32
    %c0_i32_0 = arith.constant 0 : i32
    %c0_i32_1 = arith.constant 0 : i32
    return %c0_i32, %c0_i32_0 : i32, i32
  }
  func.func @transform_11(%arg0: i32, %arg1: i32) -> (i32, i32) {
    %c0_i32 = arith.constant 0 : i32
    %c0_i32_0 = arith.constant 0 : i32
    %c0_i32_1 = arith.constant 0 : i32
    return %c0_i32, %c0_i32_0 : i32, i32
  }
  func.func @transform_12(%arg0: i32, %arg1: i32) -> (i32, i32) {
    %c0_i32 = arith.constant 0 : i32
    %c0_i32_0 = arith.constant 0 : i32
    %c0_i32_1 = arith.constant 0 : i32
    return %c0_i32, %c0_i32_0 : i32, i32
  }
  func.func @transform_13(%arg0: i32, %arg1: i32) -> (i32, i32) {
    %c0_i32 = arith.constant 0 : i32
    %c0_i32_0 = arith.constant 0 : i32
    %c0_i32_1 = arith.constant 0 : i32
    return %c0_i32, %c0_i32_0 : i32, i32
  }
  func.func @transform_14(%arg0: i32, %arg1: i32) -> i32 {
    %c0_i32 = arith.constant 0 : i32
    %c0_i32_0 = arith.constant 0 : i32
    return %c0_i32 : i32
  }
  func.func @transform_15(%arg0: i32, %arg1: i32) -> i32 {
    %c0_i32 = arith.constant 0 : i32
    return %arg1 : i32
  }
}

</mosaic_0001>

<sc_bundles>
// kernel: kernel.4.cloned.1.call-start
scs
__scs_entry_jumppad:
0x0: {  	(pc) =	sbr.rel $0x88, $3  }
0x1: {  	(tag) =	ssettag $0x0;
	lr =	simm.s32 $0x1  }
0x2: {  	[smem:$0x3F91] =	sst lr;
	_ =	strace $0xD0000000  }
0x3: {  	_ = 	snop  }
0x4: {  	_ = 	snop  }
0x5: {  	_ = 	snop  }
0x6: {  	_ = 	snop  }
0x7: {  	_ = 	snop  }
__scs_overlays_trampoline_lowered:
0x8: {  	[smem:$0x3FA0] =	sst s0  }
0x9: {  	[smem:$0x3FA1] =	sst s1  }
0xa: {  	[smem:$0x3FA2] =	sst s2  }
0xb: {  	[smem:$0x3FA3] =	sst s3  }
0xc: {  	[smem:$0x3FA4] =	sst s4  }
0xd: {  	[smem:$0x3FA5] =	sst s5  }
0xe: {  	[smem:$0x3FA6] =	sst s6  }
0xf: {  	[smem:$0x3FA7] =	sst s7  }
0x10: {  	[smem:$0x3FA8] =	sst s8  }
0x11: {  	[smem:$0x3FA9] =	sst s9;
	s0 =	simm.s32 @!p0 $0x0  }
0x12: {  	s1 =	sld [smem:$0x3F8F];
	s0 =	simm.s32 @p0 $0x1  }
0x13: {  	[smem:$0x3FAA] =	sst s0;
	s0 =	simm.s32 @!p1 $0x0  }
0x14: {  	s2 =	sld [smem:$0x3F8E];
	s0 =	simm.s32 @p1 $0x1  }
0x15: {  	[smem:$0x3FAB] =	sst s0;
	s0 =	simm.s32 @!p2 $0x0  }
0x16: {  	s3 =	sld [smem:$0x3FDB];
	s0 =	simm.s32 @p2 $0x1  }
0x17: {  	s4 =	simm.s32 $0x1BF5;
	[smem:$0x3FAD] =	sst s0  }
0x18: {  	s0 =	sld [smem:$0x3F90];
	_ =	swait.ge [sflag:s4], $0x0  }
0x19: {  	s7 =	sld [smem:$0x3F91]  }
0x1a: {  	s8 =	sadd.s32 $0xFFFFE003, lr  }
0x1b: {  	s9 =	sadd.s32 $0xFFFFFEF7, lr;
	s5 =	simm.s32 $0xFFFFFFFF;
	p2 =	slt.u32 s8, $0xFFFFF086  }
0x1c: {  	p1 =	slt.u32 s9, $0xF7A;
	s5 =	simm.s32 @!p2 $0x0  }
0x1d: {  	s5 =	simm.s32 @p1 $0x1;
	p0 =	seq.s32 s7, s2  }
0x1e: {  	s7 =	smul.u32 @!p0 $0xF7A, s2;
	p2 =	seq.s32 @!p0 s5, $0x0  }
0x1f: {  	s9 =	smul.u32 $0xF7A, s1;
	s8 =	simm.s32 @!p0 $0x1BF5;
	p2 =	por !p2, p0  }
0x20: {  	[sflag:s8] =	ssyncset.s32 @!p0 $0xFFFFF086;
	s6 =	sadd.s32 @!p0 s3, s7;
	s7 =	simm.s32 @!p0 $0x108  }
0x21: {  	s3 =	sadd.s32 s3, s9;
	s6 =	sadd.s32 @!p0 $0x88, s6;
	s7 =	simm.s32 @p2 $0x1082  }
0x22: {  	[simem:s7], [sflag:s8] =	dma.local @!p0 [hbm:s6], $0xF7A  }
0x23: {  	s9 =	sor.u32 $0xD0000000, s2;
	s6 =	simm.s32 $0x108;
	_ =	swait.ge @!p0 [sflag:s8], $0x0  }
0x24: {  	s3 =	sadd.s32 $0x88, s3;
	s6 =	simm.s32 @!p1 $0x1082;
	[sflag:s4] =	ssyncset.s32 $0xFFFFF086  }
0x25: {  	[simem:s6], [sflag:s4] =	dma.local [hbm:s3], $0xF7A  }
0x26: {  	[smem:$0x3F91] =	sst s1;
	(tag) =	ssettag s2;
	_ =	strace s9  }
0x27: {  	s1 =	sld [smem:$0x3FA1]  }
0x28: {  	s2 =	sld [smem:$0x3FA2]  }
0x29: {  	s4 =	sld [smem:$0x3FA4]  }
0x2a: {  	p0 =	seq.s32 s5, $0x0;
	s5 =	sld [smem:$0x3FA5]  }
0x2b: {  	s6 =	sld [smem:$0x3FA6]  }
0x2c: {  	s7 =	sld [smem:$0x3FA7]  }
0x2d: {  	s3 =	simm.s32 $0x108;
	s8 =	sld [smem:$0x3FA8]  }
0x2e: {  	s3 =	simm.s32 @!p0 $0x1082;
	s9 =	sld [smem:$0x3FA9]  }
0x2f: {  	lr =	sadd.s32 s0, s3;
	s0 =	sld [smem:$0x3FA0]  }
0x30: {  	s3 =	sld [smem:$0x3FA3]  }
0x31: {  	[smem:$0x3FAC] =	sst s10  }
0x32: {  	s10 =	sld [smem:$0x3FAA];
	_ =	sdelay $0x3  }
0x33: {  	p0 =	seq.s32 s10, $0x1;
	s10 =	sld [smem:$0x3FAC];
	_ =	sdelay $0x3  }
0x34: {  	[smem:$0x3FAC] =	sst s10  }
0x35: {  	s10 =	sld [smem:$0x3FAB];
	_ =	sdelay $0x3  }
0x36: {  	p1 =	seq.s32 s10, $0x1;
	s10 =	sld [smem:$0x3FAC];
	_ =	sdelay $0x3  }
0x37: {  	[smem:$0x3FAC] =	sst s10  }
0x38: {  	s10 =	sld [smem:$0x3FAD]  }
0x39: {  	_ = 	snop;
	(pc) =	sbr.ind lr, $3  }
0x3a: {  	_ = 	snop  }
0x3b: {  	_ = 	snop  }
0x3c: {  	p2 =	seq.s32 s10, $0x1;
	s10 =	sld [smem:$0x3FAC]  }
0x3d: {  	_ =	shalt  }
0x3e: {  	_ =	shalt  }
0x3f: {  	_ =	shalt  }
0x40: {  	_ =	shalt  }
0x41: {  	_ =	shalt  }
0x42: {  	_ =	shalt  }
0x43: {  	_ =	shalt  }
0x44: {  	_ =	shalt  }
0x45: {  	_ =	shalt  }
0x46: {  	_ =	shalt  }
0x47: {  	_ =	shalt  }
0x48: {  	_ =	shalt  }
0x49: {  	_ =	shalt  }
0x4a: {  	_ =	shalt  }
0x4b: {  	_ =	shalt  }
0x4c: {  	_ =	shalt  }
0x4d: {  	_ =	shalt  }
0x4e: {  	_ =	shalt  }
0x4f: {  	_ =	shalt  }
0x50: {  	_ =	shalt  }
0x51: {  	_ =	shalt  }
0x52: {  	_ =	shalt  }
0x53: {  	_ =	shalt  }
0x54: {  	_ =	shalt  }
0x55: {  	_ =	shalt  }
0x56: {  	_ =	shalt  }
0x57: {  	_ =	shalt  }
0x58: {  	_ =	shalt  }
0x59: {  	_ =	shalt  }
0x5a: {  	_ =	shalt  }
0x5b: {  	_ =	shalt  }
0x5c: {  	_ =	shalt  }
0x5d: {  	_ =	shalt  }
0x5e: {  	_ =	shalt  }
0x5f: {  	_ =	shalt  }
0x60: {  	_ =	shalt  }
0x61: {  	_ =	shalt  }
0x62: {  	_ =	shalt  }
0x63: {  	_ =	shalt  }
0x64: {  	_ =	shalt  }
0x65: {  	_ =	shalt  }
0x66: {  	_ =	shalt  }
0x67: {  	_ =	shalt  }
0x68: {  	_ =	shalt  }
0x69: {  	_ =	shalt  }
0x6a: {  	_ =	shalt  }
0x6b: {  	_ =	shalt  }
0x6c: {  	_ =	shalt  }
0x6d: {  	_ =	shalt  }
0x6e: {  	_ =	shalt  }
0x6f: {  	_ =	shalt  }
0x70: {  	_ =	shalt  }
0x71: {  	_ =	shalt  }
0x72: {  	_ =	shalt  }
0x73: {  	_ =	shalt  }
0x74: {  	_ =	shalt  }
0x75: {  	_ =	shalt  }
0x76: {  	_ =	shalt  }
0x77: {  	_ =	shalt  }
0x78: {  	_ =	shalt  }
0x79: {  	_ =	shalt  }
0x7a: {  	_ =	shalt  }
0x7b: {  	_ =	shalt  }
0x7c: {  	_ =	shalt  }
0x7d: {  	_ =	shalt  }
0x7e: {  	_ =	shalt  }
0x7f: {  	_ =	shalt  }
0x80: {  	_ =	shalt  }
0x81: {  	_ =	shalt  }
0x82: {  	_ =	shalt  }
0x83: {  	_ =	shalt  }
0x84: {  	_ =	shalt  }
0x85: {  	_ =	shalt  }
0x86: {  	_ =	shalt  }
0x87: {  	_ =	shalt  }
.Lfunc_end0:
.L_simem_size_0:
called_computation_lowered:
.L_overlay_start_0:
0x88: {  	s2 =	sld [smem:$0x3FD9]  }
0x89: {  	s3 =	sld [smem:$0x3FFE];
	_ =	sdelay $0x1  }
0x8a: {  	s1 =	srdreg.scid  }
0x8b: {  	s0 =	sand.u32 $0x1, s1  }
0x8c: {  	s16 =	sshll.u32 s0, $0xA;
	s2 =	sadd.s32 s3, s2  }
0x8d: {  	s2 =	sadd.s32 s2, s16  }
0x8e: {  	[smem:$0x3FB8] =	sst s2  }
0x8f: {  	_ = 	snop  }
0x90: {  	(tm) =	ssettm $0x1  }
0x91: {  	s17 =	sld [smem:$0x3FFB];
	_ =	sdelay $0x3  }
0x92: {  	_ =	strace s17  }
0x93: {  	s2 =	sld [smem:$0x3FFC];
	_ =	sdelay $0x3  }
0x94: {  	_ =	strace s2  }
0x95: {  	s2 =	sld [smem:$0x3FFD];
	_ =	sdelay $0x3  }
0x96: {  	_ =	strace s2  }
0x97: {  	_ =	strace $0x8FFFFFFF  }
0x98: {  	s18 =	sld [smem:$0x3FDB];
	_ =	sdelay $0x1  }
0x99: {  	s19 =	simm.s32 $_scs_section_size  }
0x9a: {  	s4 =	simm.s32 $_size__tile_overlayer_lowered;
	s5 =	simm.s32 $_tile_overlayer_lowered  }
0x9b: {  	s22 =	simm.s32 $0x1BFF;
	s21 =	sshll.u32 s5, $0x1;
	s2 =	sadd.s32 s19, s18  }
0x9c: {  	s6 =	simm.s32 $0x0;
	s20 =	sshll.u32 s4, $0x1;
	s4 =	sadd.s32 s21, s2  }
0x9d: {  	[timem:s6], [sflag:s22] =	dma.local [hbm:s4], s20  }
0x9e: {  	_ =	swait.ge [sflag:s22], s20  }
0x9f: {  	s3 =	ssub.s32 $0x0, s20;
	[sflag:s22] =	ssyncset.done $0x0  }
0xa0: {  	[sflag:s22] =	ssyncadd.s32 s3;
	_ =	sdelay $0x1  }
0xa1: {  	s23 =	simm.s32 $0x1B8B  }
0xa2: {  	_ =	swait.ge [sflag:s23], $0x1  }
0xa3: {  	[sflag:s23] =	ssyncset.done $0x0  }
0xa4: {  	s25 =	simm.s32 $0x1B8E;
	s24 =	sld [smem:$0x3FFE];
	[sflag:s23] =	ssyncadd.s32 $0xFFFFFFFF  }
0xa5: {  	s26 =	simm.s32 $execute0_lowered;
	[smem:$0x3FD2] =	sst s25  }
0xa6: {  	s4 =	sshll.u32 s26, $0x1;
	_ =	strace $0x80000046;
	[dreg:$0x1] =	wrdreg $0xFFFFFFFF  }
0xa7: {  	s28 =	simm.s32 $_size_execute0_lowered;
	s2 =	sadd.s32 s2, s4;
	[dreg:$0x0] =	wrdreg $0x0  }
0xa8: {  	s4 =	sshll.u32 s28, $0x1;
	[dreg:$0x2] =	wrdreg s2  }
0xa9: {  	[dreg:$0x3] =	wrdreg s4  }
0xaa: {  	[dreg:$0x4] =	wrdreg $0xC0  }
0xab: {  	_ =	task [dreg:s6], $0x5FFFF  }
0xac: {  	[dreg:$0x1] =	wrdreg $0xFFFFFFFF  }
0xad: {  	[dreg:$0x0] =	wrdreg $0x60  }
0xae: {  	[dreg:$0x2] =	wrdreg s24  }
0xaf: {  	[dreg:$0x3] =	wrdreg $0x9  }
0xb0: {  	_ =	task.clear_ibuf [dreg:s6], $0x4FFFF;
	_ =	strace $0x90000046  }
0xb1: {  	s29 =	simm.s32 $0x9;
	_ =	strace $0x80000048  }
0xb2: {  	_ =	swait.ge [sflag:s29], $0x1  }
0xb3: {  	[sflag:s29] =	ssyncadd.s32 $0xFFFFFFFF  }
0xb4: {  	_ =	strace $0x90000048  }
0xb5: {  	_ =	sfence  }
0xb6: {  	s30 =	sld [smem:$0x0];
	_ =	sdelay $0x2  }
0xb7: {  	s31 =	sshll.u32 s1, $0xD;
	s1 =	sshrl.u32 s1, $0x2  }
0xb8: {  	s3 =	sand.u32 $0x4000, s31;
	s1 =	sadd.s32 s1, s30  }
0xb9: {  	s0 =	sor.u32 s3, s0;
	s1 =	sshll.u32 s1, $0x11  }
0xba: {  	s0 =	sor.u32 s1, s0  }
0xbb: {  	s0 =	sadd.s32 $0x8F2B, s0  }
0xbc: {  	[sflag:s0] =	ssyncadd.remote.s32 $0x1  }
0xbd: {  	_ =	sfence.sel $0xFFFF  }
0xbe: {  	[dreg:$0x0] =	wrdreg $0xFFFFFFFF;
	(pc) =	sbr.abs _section_cstart, $3  }
0xbf: {  	[dreg:$0x1] =	wrdreg $0xFFFFFFFF  }
0xc0: {  	_ =	task.clear_ibuf [dreg:s6], $0x2FFFF;
	_ =	strace $0x9FFFFFFF  }
0xc1: {  	(tm) =	ssettm $0x7FFFFFFF  }
tec
execute0_lowered:
.L_overlay_start_1:
0x0: {  	(tag) =	ssettag $0x1  }
0x1: {  	s4 =	rddreg [dreg:$0x0]  }
0x2: {  	s0 =	rddreg [dreg:$0x1]  }
0x3: {  	s3 =	srdreg.scid;
	s1 =	stileid.u32  }
0x4: {  	s2 =	simm.s32 $0x0;
	s31 =	simm.s32 $0x3C00;
	s10 =	simm.s32 $0x4400  }
0x5: {  	s9 =	simm.s32 $0x3400;
	s11 =	simm.s32 $0x5400;
	s12 =	simm.s32 $0x5C00  }
0x6: {  	s13 =	simm.s32 $0x6400;
	s14 =	simm.s32 $0x6C00;
	s15 =	simm.s32 $0x7400  }
0x7: {  	s16 =	simm.s32 $0x7C00;
	s17 =	simm.s32 $0x8400;
	s18 =	simm.s32 $0x8C00  }
0x8: {  	s19 =	simm.s32 $0x9400;
	s20 =	simm.s32 $0x1;
	s21 =	simm.s32 $0x0  }
0x9: {  	s5 =	sand.u32 $0x1, s3;
	s28 =	sshll.u32 s1, $0x1;
	[smem:$0x7FF] =	sst s2  }
0xa: {  	s7 =	smul.u32 $0xD000, s1;
	s3 =	sor.u32 s5, s28;
	_ =	strace $0x80000047  }
0xb: {  	s8 =	ssub.s32 $0x2, s5;
	s5 =	smul.u32 $0x6800, s5;
	[dreg:$0x2] =	wrdreg s31  }
0xc: {  	[dreg:$0x3] =	wrdreg s10;
	s10 =	simm.s32 $0x4C00;
	s6 =	smul.u32 $0x3400, s3  }
0xd: {  	s3 =	sadd.s32 $0x27ACE00, s4;
	s7 =	sadd.s32 s7, s4;
	s29 =	sshrl.u32 s8, $0x1  }
0xe: {  	s8 =	ssub.s32 s8, s29;
	s30 =	sadd.s32 s5, s7;
	s6 =	sshrl.u32 s6, $0x3  }
0xf: {  	s7 =	simm.s32 $0x2;
	s5 =	smax.u32 s8, $0x1;
	s6 =	sadd.s32 s6, s4  }
0x10: {  	s8 =	simm.s32 $0x80;
	s4 =	sadd.s32 $0xA00, s6;
	s6 =	sadd.s32 $0xDA00, s30  }
.LBB2_1:
0x11: {  	[tilespmem:s2], [sflag:$0x2] =	stream.linear.gather [hbm4b:s4+s2], $0x3400, $0x38;
	[tilespmem:$0x9C00] =	vst v63  }
0x12: {  	_ =	swait.ge [sflag:s7], $0x3400  }
0x13: {  	[sflag:s7] =	ssyncset.done $0x0  }
0x14: {  	s22 =	simm.s32 $0x0;
	[sflag:s7] =	ssyncadd.s32 $0xFFFFCC00  }
0x15: {  	[tilespmem:s9], [sflag:$0x1] =	stream.indirect.gather [hbm4b:s3+s8], $0x10, s22, s8, $0xb8;
	[tilespmem:$0x9C00] =	vst v63  }
0x16: {  	s28 =	simm.s32 $0x80;
	s23 =	rddreg [dreg:$0x2]  }
0x17: {  	[tilespmem:s23], [sflag:$0x1] =	stream.indirect.gather [hbm4b:s3+s8], $0x10, s28, s8, $0xb8;
	[tilespmem:$0x9C00] =	vst v63  }
0x18: {  	s29 =	simm.s32 $0x100;
	s24 =	rddreg [dreg:$0x3]  }
0x19: {  	[tilespmem:s24], [sflag:$0x1] =	stream.indirect.gather [hbm4b:s3+s8], $0x10, s29, s8, $0xb8;
	[tilespmem:$0x9C00] =	vst v63  }
0x1a: {  	s30 =	simm.s32 $0x180  }
0x1b: {  	[tilespmem:s10], [sflag:$0x1] =	stream.indirect.gather [hbm4b:s3+s8], $0x10, s30, s8, $0xb8;
	[tilespmem:$0x9C00] =	vst v63  }
0x1c: {  	s31 =	simm.s32 $0x200  }
0x1d: {  	[tilespmem:s11], [sflag:$0x1] =	stream.indirect.gather [hbm4b:s3+s8], $0x10, s31, s8, $0xb8;
	[tilespmem:$0x9C00] =	vst v63  }
0x1e: {  	s23 =	simm.s32 $0x280  }
0x1f: {  	[tilespmem:s12], [sflag:$0x1] =	stream.indirect.gather [hbm4b:s3+s8], $0x10, s23, s8, $0xb8;
	[tilespmem:$0x9C00] =	vst v63  }
0x20: {  	s24 =	simm.s32 $0x300  }
0x21: {  	[tilespmem:s13], [sflag:$0x1] =	stream.indirect.gather [hbm4b:s3+s8], $0x10, s24, s8, $0xb8;
	[tilespmem:$0x9C00] =	vst v63  }
0x22: {  	s25 =	simm.s32 $0x380  }
0x23: {  	[tilespmem:s14], [sflag:$0x1] =	stream.indirect.gather [hbm4b:s3+s8], $0x10, s25, s8, $0xb8;
	[tilespmem:$0x9C00] =	vst v63  }
0x24: {  	s26 =	simm.s32 $0x400  }
0x25: {  	[tilespmem:s15], [sflag:$0x1] =	stream.indirect.gather [hbm4b:s3+s8], $0x10, s26, s8, $0xb8;
	[tilespmem:$0x9C00] =	vst v63  }
0x26: {  	s28 =	simm.s32 $0x480  }
0x27: {  	[tilespmem:s16], [sflag:$0x1] =	stream.indirect.gather [hbm4b:s3+s8], $0x10, s28, s8, $0xb8;
	[tilespmem:$0x9C00] =	vst v63  }
0x28: {  	s29 =	simm.s32 $0x500  }
0x29: {  	[tilespmem:s17], [sflag:$0x1] =	stream.indirect.gather [hbm4b:s3+s8], $0x10, s29, s8, $0xb8;
	[tilespmem:$0x9C00] =	vst v63  }
0x2a: {  	s30 =	simm.s32 $0x580  }
0x2b: {  	[tilespmem:s18], [sflag:$0x1] =	stream.indirect.gather [hbm4b:s3+s8], $0x10, s30, s8, $0xb8;
	[tilespmem:$0x9C00] =	vst v63  }
0x2c: {  	s31 =	simm.s32 $0x600  }
0x2d: {  	[tilespmem:s19], [sflag:$0x1] =	stream.indirect.gather [hbm4b:s3+s8], $0x10, s31, s8, $0xb8;
	[tilespmem:$0x9C00] =	vst v63  }
0x2e: {  	_ =	swait.ge [sflag:s20], $0x800  }
0x2f: {  	[sflag:s20] =	ssyncset.done $0x0  }
0x30: {  	[sflag:s20] =	ssyncadd.s32 $0xFFFFF800  }
0x31: {  	_ =	swait.ge [sflag:s20], $0x800  }
0x32: {  	[sflag:s20] =	ssyncset.done $0x0  }
0x33: {  	[sflag:s20] =	ssyncadd.s32 $0xFFFFF800  }
0x34: {  	_ =	swait.ge [sflag:s20], $0x800  }
0x35: {  	[sflag:s20] =	ssyncset.done $0x0  }
0x36: {  	[sflag:s20] =	ssyncadd.s32 $0xFFFFF800  }
0x37: {  	_ =	swait.ge [sflag:s20], $0x800  }
0x38: {  	[sflag:s20] =	ssyncset.done $0x0  }
0x39: {  	[sflag:s20] =	ssyncadd.s32 $0xFFFFF800  }
0x3a: {  	_ =	swait.ge [sflag:s20], $0x800  }
0x3b: {  	[sflag:s20] =	ssyncset.done $0x0  }
0x3c: {  	[sflag:s20] =	ssyncadd.s32 $0xFFFFF800  }
0x3d: {  	_ =	swait.ge [sflag:s20], $0x800  }
0x3e: {  	[sflag:s20] =	ssyncset.done $0x0  }
0x3f: {  	[sflag:s20] =	ssyncadd.s32 $0xFFFFF800  }
0x40: {  	_ =	swait.ge [sflag:s20], $0x800  }
0x41: {  	[sflag:s20] =	ssyncset.done $0x0  }
0x42: {  	[sflag:s20] =	ssyncadd.s32 $0xFFFFF800  }
0x43: {  	_ =	swait.ge [sflag:s20], $0x800  }
0x44: {  	[sflag:s20] =	ssyncset.done $0x0  }
0x45: {  	[sflag:s20] =	ssyncadd.s32 $0xFFFFF800  }
0x46: {  	_ =	swait.ge [sflag:s20], $0x800  }
0x47: {  	[sflag:s20] =	ssyncset.done $0x0  }
0x48: {  	[sflag:s20] =	ssyncadd.s32 $0xFFFFF800  }
0x49: {  	_ =	swait.ge [sflag:s20], $0x800  }
0x4a: {  	[sflag:s20] =	ssyncset.done $0x0  }
0x4b: {  	[sflag:s20] =	ssyncadd.s32 $0xFFFFF800  }
0x4c: {  	_ =	swait.ge [sflag:s20], $0x800  }
0x4d: {  	[sflag:s20] =	ssyncset.done $0x0  }
0x4e: {  	[sflag:s20] =	ssyncadd.s32 $0xFFFFF800  }
0x4f: {  	_ =	swait.ge [sflag:s20], $0x800  }
0x50: {  	[sflag:s20] =	ssyncset.done $0x0  }
0x51: {  	[sflag:s20] =	ssyncadd.s32 $0xFFFFF800  }
0x52: {  	_ =	swait.ge [sflag:s20], $0x800  }
0x53: {  	[sflag:s20] =	ssyncset.done $0x0  }
0x54: {  	[sflag:s20] =	ssyncadd.s32 $0xFFFFF800  }
0x55: {  	[hbm4b:s6+s2] =	stream.linear.scatter [tilespmem:s9], [sflag:$0x2], $0x6800, $0x38;
	[tilespmem:$0x9C00] =	vst v63  }
0x56: {  	s22 =	sadd.s32 $0xD00, s6;
	_ =	swait.ge [sflag:s7], $0x6800  }
0x57: {  	s23 =	simm.s32 $0x1A00;
	s25 =	simm.s32 $0x3400;
	[sflag:s7] =	ssyncset.done $0x0  }
.LBB2_2:
0x58: {  	s26 =	sshra.s32 s23, $0x2;
	[sflag:s7] =	ssyncadd.s32 $0xFFFF9800  }
0x59: {  	[tilespmem:s9], [sflag:$0x1] =	stream.indirect.gather [hbm4b:s3+s8], $0x10, s26, s8, $0xb8;
	[tilespmem:$0x9C00] =	vst v63  }
0x5a: {  	s28 =	rddreg [dreg:$0x2];
	s29 =	sadd.s32 $0x80, s26  }
0x5b: {  	[tilespmem:s28], [sflag:$0x1] =	stream.indirect.gather [hbm4b:s3+s8], $0x10, s29, s8, $0xb8;
	[tilespmem:$0x9C00] =	vst v63  }
0x5c: {  	s30 =	rddreg [dreg:$0x3];
	s29 =	sadd.s32 $0x100, s26  }
0x5d: {  	[tilespmem:s30], [sflag:$0x1] =	stream.indirect.gather [hbm4b:s3+s8], $0x10, s29, s8, $0xb8;
	[tilespmem:$0x9C00] =	vst v63  }
0x5e: {  	s30 =	sadd.s32 $0x180, s26  }
0x5f: {  	[tilespmem:s10], [sflag:$0x1] =	stream.indirect.gather [hbm4b:s3+s8], $0x10, s30, s8, $0xb8;
	[tilespmem:$0x9C00] =	vst v63  }
0x60: {  	s31 =	sadd.s32 $0x200, s26  }
0x61: {  	[tilespmem:s11], [sflag:$0x1] =	stream.indirect.gather [hbm4b:s3+s8], $0x10, s31, s8, $0xb8;
	[tilespmem:$0x9C00] =	vst v63  }
0x62: {  	s28 =	sadd.s32 $0x280, s26  }
0x63: {  	[tilespmem:s12], [sflag:$0x1] =	stream.indirect.gather [hbm4b:s3+s8], $0x10, s28, s8, $0xb8;
	[tilespmem:$0x9C00] =	vst v63  }
0x64: {  	s29 =	sadd.s32 $0x300, s26  }
0x65: {  	[tilespmem:s13], [sflag:$0x1] =	stream.indirect.gather [hbm4b:s3+s8], $0x10, s29, s8, $0xb8;
	[tilespmem:$0x9C00] =	vst v63  }
0x66: {  	s30 =	sadd.s32 $0x380, s26  }
0x67: {  	[tilespmem:s14], [sflag:$0x1] =	stream.indirect.gather [hbm4b:s3+s8], $0x10, s30, s8, $0xb8;
	[tilespmem:$0x9C00] =	vst v63  }
0x68: {  	s31 =	sadd.s32 $0x400, s26  }
0x69: {  	[tilespmem:s15], [sflag:$0x1] =	stream.indirect.gather [hbm4b:s3+s8], $0x10, s31, s8, $0xb8;
	[tilespmem:$0x9C00] =	vst v63  }
0x6a: {  	s28 =	sadd.s32 $0x480, s26  }
0x6b: {  	[tilespmem:s16], [sflag:$0x1] =	stream.indirect.gather [hbm4b:s3+s8], $0x10, s28, s8, $0xb8;
	[tilespmem:$0x9C00] =	vst v63  }
0x6c: {  	s29 =	sadd.s32 $0x500, s26  }
0x6d: {  	[tilespmem:s17], [sflag:$0x1] =	stream.indirect.gather [hbm4b:s3+s8], $0x10, s29, s8, $0xb8;
	[tilespmem:$0x9C00] =	vst v63  }
0x6e: {  	s30 =	sadd.s32 $0x580, s26  }
0x6f: {  	[tilespmem:s18], [sflag:$0x1] =	stream.indirect.gather [hbm4b:s3+s8], $0x10, s30, s8, $0xb8;
	[tilespmem:$0x9C00] =	vst v63  }
0x70: {  	s31 =	sadd.s32 $0x600, s26  }
0x71: {  	[tilespmem:s19], [sflag:$0x1] =	stream.indirect.gather [hbm4b:s3+s8], $0x10, s31, s8, $0xb8;
	[tilespmem:$0x9C00] =	vst v63  }
0x72: {  	_ =	swait.ge [sflag:s20], $0x800  }
0x73: {  	[sflag:s20] =	ssyncset.done $0x0  }
0x74: {  	[sflag:s20] =	ssyncadd.s32 $0xFFFFF800  }
0x75: {  	_ =	swait.ge [sflag:s20], $0x800  }
0x76: {  	[sflag:s20] =	ssyncset.done $0x0  }
0x77: {  	[sflag:s20] =	ssyncadd.s32 $0xFFFFF800  }
0x78: {  	_ =	swait.ge [sflag:s20], $0x800  }
0x79: {  	[sflag:s20] =	ssyncset.done $0x0  }
0x7a: {  	[sflag:s20] =	ssyncadd.s32 $0xFFFFF800  }
0x7b: {  	_ =	swait.ge [sflag:s20], $0x800  }
0x7c: {  	[sflag:s20] =	ssyncset.done $0x0  }
0x7d: {  	[sflag:s20] =	ssyncadd.s32 $0xFFFFF800  }
0x7e: {  	_ =	swait.ge [sflag:s20], $0x800  }
0x7f: {  	[sflag:s20] =	ssyncset.done $0x0  }
0x80: {  	[sflag:s20] =	ssyncadd.s32 $0xFFFFF800  }
0x81: {  	_ =	swait.ge [sflag:s20], $0x800  }
0x82: {  	[sflag:s20] =	ssyncset.done $0x0  }
0x83: {  	[sflag:s20] =	ssyncadd.s32 $0xFFFFF800  }
0x84: {  	_ =	swait.ge [sflag:s20], $0x800  }
0x85: {  	[sflag:s20] =	ssyncset.done $0x0  }
0x86: {  	[sflag:s20] =	ssyncadd.s32 $0xFFFFF800  }
0x87: {  	_ =	swait.ge [sflag:s20], $0x800  }
0x88: {  	[sflag:s20] =	ssyncset.done $0x0  }
0x89: {  	[sflag:s20] =	ssyncadd.s32 $0xFFFFF800  }
0x8a: {  	_ =	swait.ge [sflag:s20], $0x800  }
0x8b: {  	[sflag:s20] =	ssyncset.done $0x0  }
0x8c: {  	[sflag:s20] =	ssyncadd.s32 $0xFFFFF800  }
0x8d: {  	_ =	swait.ge [sflag:s20], $0x800  }
0x8e: {  	[sflag:s20] =	ssyncset.done $0x0  }
0x8f: {  	[sflag:s20] =	ssyncadd.s32 $0xFFFFF800  }
0x90: {  	_ =	swait.ge [sflag:s20], $0x800  }
0x91: {  	[sflag:s20] =	ssyncset.done $0x0  }
0x92: {  	[sflag:s20] =	ssyncadd.s32 $0xFFFFF800  }
0x93: {  	_ =	swait.ge [sflag:s20], $0x800  }
0x94: {  	[sflag:s20] =	ssyncset.done $0x0  }
0x95: {  	[sflag:s20] =	ssyncadd.s32 $0xFFFFF800  }
0x96: {  	p0 =	sne.s32 s25, $0xB600;
	_ =	swait.ge [sflag:s20], $0x800  }
.Ltmp0:
0x97: {  	[sflag:s20] =	ssyncset.done $0x0;
	(pc) =	sbr.rel @p0 .LBB2_2-.Ltmp0, $4  }
0x98: {  	[sflag:s20] =	ssyncadd.s32 $0xFFFFF800  }
0x99: {  	[hbm4b:s22+s2] =	stream.linear.scatter [tilespmem:s9], [sflag:$0x2], $0x6800, $0x38;
	[tilespmem:$0x9C00] =	vst v63  }
0x9a: {  	s23 =	smov.u32 s25;
	s24 =	sadd.s32 $0x1A00, s25;
	_ =	swait.ge [sflag:s7], $0x6800  }
0x9b: {  	s25 =	smov.u32 s24;
	s22 =	sadd.s32 $0xD00, s22;
	[sflag:s7] =	ssyncset.done $0x0  }
0x9c: {  	s23 =	sshra.s32 s23, $0x2;
	[sflag:s7] =	ssyncadd.s32 $0xFFFF9800  }
0x9d: {  	[tilespmem:s9], [sflag:$0x1] =	stream.indirect.gather [hbm4b:s3+s8], $0x10, s23, s8, $0xb8;
	[tilespmem:$0x9C00] =	vst v63  }
0x9e: {  	s24 =	rddreg [dreg:$0x2];
	s25 =	sadd.s32 $0x80, s23  }
0x9f: {  	[tilespmem:s24], [sflag:$0x1] =	stream.indirect.gather [hbm4b:s3+s8], $0x10, s25, s8, $0xb8;
	[tilespmem:$0x9C00] =	vst v63  }
0xa0: {  	s26 =	rddreg [dreg:$0x3];
	s28 =	sadd.s32 $0x100, s23  }
0xa1: {  	[tilespmem:s26], [sflag:$0x1] =	stream.indirect.gather [hbm4b:s3+s8], $0x10, s28, s8, $0xb8;
	[tilespmem:$0x9C00] =	vst v63  }
0xa2: {  	s29 =	sadd.s32 $0x180, s23  }
0xa3: {  	[tilespmem:s10], [sflag:$0x1] =	stream.indirect.gather [hbm4b:s3+s8], $0x10, s29, s8, $0xb8;
	[tilespmem:$0x9C00] =	vst v63  }
0xa4: {  	s30 =	sadd.s32 $0x200, s23  }
0xa5: {  	[tilespmem:s11], [sflag:$0x1] =	stream.indirect.gather [hbm4b:s3+s8], $0x10, s30, s8, $0xb8;
	[tilespmem:$0x9C00] =	vst v63  }
0xa6: {  	s31 =	sadd.s32 $0x280, s23  }
0xa7: {  	[tilespmem:s12], [sflag:$0x1] =	stream.indirect.gather [hbm4b:s3+s8], $0x10, s31, s8, $0xb8;
	[tilespmem:$0x9C00] =	vst v63  }
0xa8: {  	s25 =	sadd.s32 $0x300, s23  }
0xa9: {  	[tilespmem:s13], [sflag:$0x1] =	stream.indirect.gather [hbm4b:s3+s8], $0x10, s25, s8, $0xb8;
	[tilespmem:$0x9C00] =	vst v63  }
0xaa: {  	s26 =	sadd.s32 $0x380, s23  }
0xab: {  	[tilespmem:s14], [sflag:$0x1] =	stream.indirect.gather [hbm4b:s3+s8], $0x10, s26, s8, $0xb8;
	[tilespmem:$0x9C00] =	vst v63  }
0xac: {  	s28 =	sadd.s32 $0x400, s23  }
0xad: {  	[tilespmem:s15], [sflag:$0x1] =	stream.indirect.gather [hbm4b:s3+s8], $0x10, s28, s8, $0xb8;
	[tilespmem:$0x9C00] =	vst v63  }
0xae: {  	s29 =	sadd.s32 $0x480, s23  }
0xaf: {  	[tilespmem:s16], [sflag:$0x1] =	stream.indirect.gather [hbm4b:s3+s8], $0x10, s29, s8, $0xb8;
	[tilespmem:$0x9C00] =	vst v63  }
0xb0: {  	s30 =	sadd.s32 $0x500, s23  }
0xb1: {  	[tilespmem:s17], [sflag:$0x1] =	stream.indirect.gather [hbm4b:s3+s8], $0x10, s30, s8, $0xb8;
	[tilespmem:$0x9C00] =	vst v63  }
0xb2: {  	s31 =	sadd.s32 $0x580, s23  }
0xb3: {  	[tilespmem:s18], [sflag:$0x1] =	stream.indirect.gather [hbm4b:s3+s8], $0x10, s31, s8, $0xb8;
	[tilespmem:$0x9C00] =	vst v63  }
0xb4: {  	s23 =	sadd.s32 $0x600, s23  }
0xb5: {  	[tilespmem:s19], [sflag:$0x1] =	stream.indirect.gather [hbm4b:s3+s8], $0x10, s23, s8, $0xb8;
	[tilespmem:$0x9C00] =	vst v63  }
0xb6: {  	_ =	swait.ge [sflag:s20], $0x800  }
0xb7: {  	[sflag:s20] =	ssyncset.done $0x0  }
0xb8: {  	[sflag:s20] =	ssyncadd.s32 $0xFFFFF800  }
0xb9: {  	_ =	swait.ge [sflag:s20], $0x800  }
0xba: {  	[sflag:s20] =	ssyncset.done $0x0  }
0xbb: {  	[sflag:s20] =	ssyncadd.s32 $0xFFFFF800  }
0xbc: {  	_ =	swait.ge [sflag:s20], $0x800  }
0xbd: {  	[sflag:s20] =	ssyncset.done $0x0  }
0xbe: {  	[sflag:s20] =	ssyncadd.s32 $0xFFFFF800  }
0xbf: {  	_ =	swait.ge [sflag:s20], $0x800  }
0xc0: {  	[sflag:s20] =	ssyncset.done $0x0  }
0xc1: {  	[sflag:s20] =	ssyncadd.s32 $0xFFFFF800  }
0xc2: {  	_ =	swait.ge [sflag:s20], $0x800  }
0xc3: {  	[sflag:s20] =	ssyncset.done $0x0  }
0xc4: {  	[sflag:s20] =	ssyncadd.s32 $0xFFFFF800  }
0xc5: {  	_ =	swait.ge [sflag:s20], $0x800  }
0xc6: {  	[sflag:s20] =	ssyncset.done $0x0  }
0xc7: {  	[sflag:s20] =	ssyncadd.s32 $0xFFFFF800  }
0xc8: {  	_ =	swait.ge [sflag:s20], $0x800  }
0xc9: {  	[sflag:s20] =	ssyncset.done $0x0  }
0xca: {  	[sflag:s20] =	ssyncadd.s32 $0xFFFFF800  }
0xcb: {  	_ =	swait.ge [sflag:s20], $0x800  }
0xcc: {  	[sflag:s20] =	ssyncset.done $0x0  }
0xcd: {  	[sflag:s20] =	ssyncadd.s32 $0xFFFFF800  }
0xce: {  	_ =	swait.ge [sflag:s20], $0x800  }
0xcf: {  	[sflag:s20] =	ssyncset.done $0x0  }
0xd0: {  	[sflag:s20] =	ssyncadd.s32 $0xFFFFF800  }
0xd1: {  	_ =	swait.ge [sflag:s20], $0x800  }
0xd2: {  	[sflag:s20] =	ssyncset.done $0x0  }
0xd3: {  	[sflag:s20] =	ssyncadd.s32 $0xFFFFF800  }
0xd4: {  	_ =	swait.ge [sflag:s20], $0x800  }
0xd5: {  	[sflag:s20] =	ssyncset.done $0x0  }
0xd6: {  	[sflag:s20] =	ssyncadd.s32 $0xFFFFF800  }
0xd7: {  	_ =	swait.ge [sflag:s20], $0x800  }
0xd8: {  	[sflag:s20] =	ssyncset.done $0x0  }
0xd9: {  	[sflag:s20] =	ssyncadd.s32 $0xFFFFF800  }
0xda: {  	s21 =	sadd.s32 $0x1, s21;
	_ =	swait.ge [sflag:s20], $0x800  }
0xdb: {  	p0 =	sne.s32 s21, s5;
	[sflag:s20] =	ssyncset.done $0x0  }
.Ltmp1:
0xdc: {  	[sflag:s20] =	ssyncadd.s32 $0xFFFFF800;
	(pc) =	sbr.rel @p0 .LBB2_1-.Ltmp1, $4  }
0xdd: {  	[hbm4b:s22+s2] =	stream.linear.scatter [tilespmem:s9], [sflag:$0x2], $0x6800, $0x38;
	[tilespmem:$0x9C00] =	vst v63  }
0xde: {  	_ =	swait.ge [sflag:s7], $0x6800  }
0xdf: {  	[sflag:s7] =	ssyncset.done $0x0  }
0xe0: {  	[sflag:s7] =	ssyncadd.s32 $0xFFFF9800  }
0xe1: {  	_ =	sfence.sel $0x180000  }
0xe2: {  	[bflag:$0x0] =	sbarrier.arrive $0xFFFF  }
0xe3: {  	p0 =	sne.s32 s1, $0x0;
	_ =	strace $0x90000047  }
0xe4: {  	s0 =	sadd.s32 @!p0 $0x100000, s0;
	[bflag:$0x2] =	sbarrier.arrive $0xFFFF  }
0xe5: {  	[sflag:s0] =	ssyncadd.tile.s32 @!p0 $0x1;
	_ =	shalt  }
.Lfunc_end2:
_tile_overlayer_lowered:
.L_overlay_start_2:
0xe6: {  	(tag) =	ssettag $0x2  }
0xe7: {  	s0 =	rddreg [dreg:$0x0];
	s2 =	stileid.u32  }
0xe8: {  	s1 =	rddreg [dreg:$0x1];
	p0 =	sne.s32 s2, $0x0  }
0xe9: {  	s3 =	rddreg [dreg:$0x2];
	[bflag:$0x3] =	sbarrier.arrive $0xFFFF;
	s2 =	simm.s32 @!p0 $0x1C02  }
0xea: {  	[timem:s3], [sflag:s2] =	dma.local @!p0 [hbm:s0], s1  }
0xeb: {  	s0 =	simm.s32 @!p0 $0x2  }
0xec: {  	_ =	swait.ge @!p0 [sflag:s0], s1  }
0xed: {  	s1 =	ssub.s32 @!p0 $0x0, s1;
	[sflag:s0] =	ssyncset.done @!p0 $0x0  }
0xee: {  	[sflag:s0] =	ssyncadd.s32 @!p0 s1  }
0xef: {  	[bflag:$0x3] =	sbarrier.arrive $0xFFFF  }
0xf0: {  	_ =	shalt  }

</sc_bundles>
